<compile_context>
chip_gen: v7x
topology: tpu7x:2x2x1
jax: 0.10.2.dev20260603
libtpu: 0.0.44.dev20260713+nightly
codegen_flags: <defaults>
</compile_context>

<pallas_src>
import functools

import jax
import jax.numpy as jnp
from jax import lax
from jax.experimental import pallas as pl
from jax.experimental.pallas import tpu as pltpu
from jax.experimental.pallas import tpu_sc as plsc

_NC = 2
_NS = 16
_CH = 80
_NBUF = 4


def _sc_edge_aggregate(ei3, x, n_nodes, d, cht, npad):
    mesh = plsc.VectorSubcoreMesh(
        core_axis_name="c", subcore_axis_name="s",
        num_cores=_NC, num_subcores=_NS)
    zpt = npad // _NS
    rpt = (n_nodes // _NS) // 8 * 8
    rem = n_nodes - rpt * _NS

    ib = 8
    nsup = cht // ib
    assert cht % ib == 0

    @functools.partial(
        pl.kernel,
        out_type=jax.ShapeDtypeStruct((_NC, n_nodes, d), jnp.float32),
        mesh=mesh,
        scratch_types=[
            pltpu.VMEM((2 * ib, _CH), jnp.int32),
            pltpu.VMEM((2 * ib, _CH), jnp.int32),
            [pltpu.VMEM((_CH, d), jnp.float32)] * _NBUF,
            pltpu.VMEM_SHARED((npad, d), jnp.float32),
            pltpu.SemaphoreType.DMA,
            pltpu.SemaphoreType.DMA,
            pltpu.SemaphoreType.DMA,
        ],
    )
    def k(ei_hbm, x_hbm, out_hbm, src_v, dst_v, bufs,
          agg_sh, gsem, ssem, isem):
        src_hbm = ei_hbm.at[0]
        dst_hbm = ei_hbm.at[1]
        c = lax.axis_index("c")
        s = lax.axis_index("s")
        wid = c * _NS + s
        row0 = wid * cht
        pltpu.sync_copy(src_hbm.at[pl.ds(row0, ib)], src_v.at[pl.ds(0, ib)])
        pltpu.sync_copy(dst_hbm.at[pl.ds(row0, ib)], dst_v.at[pl.ds(0, ib)])
        pltpu.async_copy(x_hbm.at[src_v.at[0]], bufs[0], gsem)
        pltpu.async_copy(x_hbm.at[src_v.at[1]], bufs[1], gsem)

        zbuf = bufs[2]
        zero16 = jnp.zeros((16,), jnp.float32)

        def zrow(r, carry):
            for q in range(d // 16):
                zbuf[r, pl.ds(q * 16, 16)] = zero16
            return carry

        lax.fori_loop(0, _CH, zrow, 0)
        for t in range(zpt // _CH):
            pltpu.sync_copy(zbuf, agg_sh.at[pl.ds(s * zpt + t * _CH, _CH)])
        plsc.subcore_barrier()

        def sup(i, carry):
            base = i * ib
            for kk in range(ib):
                j = base + kk
                r = j % (2 * ib)
                buf = bufs[kk % _NBUF]
                nbuf2 = bufs[(kk + 2) % _NBUF]
                @pl.when(j >= 2)
                def _drain():
                    pltpu.make_async_copy(nbuf2, agg_sh.at[dst_v.at[r]], ssem).wait()
                if kk == 1:
                    @pl.when(i + 1 < nsup)
                    def _prefetch():
                        off = row0 + (i + 1) * ib
                        slot = ((i + 1) % 2) * ib
                        pltpu.async_copy(src_hbm.at[pl.ds(off, ib)],
                                         src_v.at[pl.ds(slot, ib)], isem)
                        pltpu.async_copy(dst_hbm.at[pl.ds(off, ib)],
                                         dst_v.at[pl.ds(slot, ib)], isem)
                if kk == ib - 2:
                    @pl.when(i + 1 < nsup)
                    def _idx_ready():
                        pltpu.make_async_copy(src_hbm.at[pl.ds(row0, ib)],
                                              src_v.at[pl.ds(0, ib)], isem).wait()
                        pltpu.make_async_copy(dst_hbm.at[pl.ds(row0, ib)],
                                              dst_v.at[pl.ds(0, ib)], isem).wait()
                @pl.when(j + 2 < cht)
                def _next_gather():
                    r2 = (j + 2) % (2 * ib)
                    pltpu.async_copy(x_hbm.at[src_v.at[r2]], nbuf2, gsem)
                pltpu.make_async_copy(x_hbm.at[src_v.at[r]], buf, gsem).wait()
                pltpu.async_copy(buf, agg_sh.at[dst_v.at[r]], ssem, add=True)
            return carry

        lax.fori_loop(0, nsup, sup, 0)
        pltpu.make_async_copy(bufs[0], agg_sh.at[dst_v.at[0]], ssem).wait()
        pltpu.make_async_copy(bufs[1], agg_sh.at[dst_v.at[0]], ssem).wait()
        plsc.subcore_barrier()
        pltpu.sync_copy(agg_sh.at[pl.ds(s * rpt, rpt)],
                        out_hbm.at[c, pl.ds(s * rpt, rpt)])
        if rem:
            @pl.when(s == _NS - 1)
            def _tail():
                pltpu.sync_copy(agg_sh.at[pl.ds(rpt * _NS, rem)],
                                out_hbm.at[c, pl.ds(rpt * _NS, rem)])

    return k(ei3, x)


def _tc_root_body(x_ref, wrootT, brel, xr_ref):
    xr_ref[...] = jnp.dot(x_ref[...], wrootT[...],
                          preferred_element_type=jnp.float32) + brel[...]


def _tc_body(agg_ref, xr_ref, batch_ref, w1T, b1, w2T, b2, wrelT,
             out_ref, pooled, *, nblocks, bk):
    i = pl.program_id(0)

    @pl.when(i == 0)
    def _init():
        pooled[...] = jnp.full(pooled.shape, -jnp.inf, jnp.float32)

    a = agg_ref[0] + agg_ref[1]
    h = jnp.dot(a, wrelT[...], preferred_element_type=jnp.float32)
    h = jnp.maximum(h + xr_ref[...], 0.0)

    bcol = batch_ref[...]
    g_lo = batch_ref[0, 0]
    g_hi = batch_ref[bk - 1, 0]

    def upd(gi, carry):
        m = jnp.where(bcol == gi, h, -jnp.inf)
        mx = jnp.max(m, axis=0)
        pooled[pl.ds(gi, 1), :] = jnp.maximum(pooled[pl.ds(gi, 1), :], mx[None, :])
        return carry

    lax.fori_loop(g_lo, g_hi + 1, upd, 0)

    @pl.when(i == nblocks - 1)
    def _final():
        p = pooled[...]
        h1 = jnp.dot(p, w1T[...], preferred_element_type=jnp.float32)
        h1 = jnp.maximum(h1 + b1[...], 0.0)
        out_ref[...] = jnp.dot(h1, w2T[...], preferred_element_type=jnp.float32) + b2[...]


def kernel(x, edge_index, batch, W_rel, b_rel, W_root, W1, b1, W2, b2):
    n, d = x.shape
    e = edge_index.shape[1]
    g = 64
    ghc = W_rel.shape[0]
    nhid = W1.shape[0]
    nout = W2.shape[0]

    nw = _NC * _NS
    cht = -(-e // (nw * _CH))
    cht += (-cht) % 8
    ep = nw * cht * _CH
    npad = n + (-n) % (_NS * _CH)

    pad = ep - e
    pad_idx = jnp.arange(pad, dtype=jnp.int32)
    padvals = jnp.stack([pad_idx % n, n + pad_idx % (npad - n)])
    assert e % _CH == 0
    ei3 = jnp.concatenate([edge_index.reshape(2, e // _CH, _CH),
                           padvals.reshape(2, pad // _CH, _CH)], axis=1)

    bk = 1000
    nblocks = n // bk
    batch2 = batch.reshape(n, 1)

    xr = pl.pallas_call(
        _tc_root_body,
        grid=(nblocks,),
        in_specs=[
            pl.BlockSpec((bk, d), lambda i: (i, 0)),
            pl.BlockSpec((d, ghc), lambda i: (0, 0)),
            pl.BlockSpec((1, ghc), lambda i: (0, 0)),
        ],
        out_specs=pl.BlockSpec((bk, ghc), lambda i: (i, 0)),
        out_shape=jax.ShapeDtypeStruct((n, ghc), jnp.float32),
        compiler_params=pltpu.CompilerParams(
            dimension_semantics=("arbitrary",)),
    )(x, W_root.T, b_rel.reshape(1, -1))

    agg = _sc_edge_aggregate(ei3, x, n, d, cht, npad)

    out = pl.pallas_call(
        functools.partial(_tc_body, nblocks=nblocks, bk=bk),
        grid=(nblocks,),
        in_specs=[
            pl.BlockSpec((_NC, bk, d), lambda i: (0, i, 0)),
            pl.BlockSpec((bk, ghc), lambda i: (i, 0)),
            pl.BlockSpec((bk, 1), lambda i: (i, 0)),
            pl.BlockSpec((ghc, nhid), lambda i: (0, 0)),
            pl.BlockSpec((1, nhid), lambda i: (0, 0)),
            pl.BlockSpec((nhid, nout), lambda i: (0, 0)),
            pl.BlockSpec((1, nout), lambda i: (0, 0)),
            pl.BlockSpec((d, ghc), lambda i: (0, 0)),
        ],
        out_specs=pl.BlockSpec((g, nout), lambda i: (0, 0)),
        out_shape=jax.ShapeDtypeStruct((g, nout), jnp.float32),
        scratch_shapes=[pltpu.VMEM((g, ghc), jnp.float32)],
        compiler_params=pltpu.CompilerParams(
            dimension_semantics=("arbitrary",)),
    )(agg, xr, batch2, W1.T, b1.reshape(1, -1), W2.T, b2.reshape(1, -1), W_rel.T)
    return out

# --- scband reference (transcript-rebuilt; emitter-appended) ---
"""Pipeline reference for scband-graph-encoder-gnn-10917806866970 (READ-ONLY COPY).

The authoritative reference and input builder live on the scoring server;
editing this copy changes nothing except your own understanding.
"""

import jax, jax.numpy as jnp
import numpy as np

N = 10000
E = 320000
D = 128
GHC = 128
NHID = 128
NOUT = 128
G = 64


def setup_inputs(seed: int = 0) -> dict:
    key = jax.random.key(seed)
    ks = jax.random.split(key, 11)
    x = jax.random.normal(ks[0], (N, D), dtype=jnp.float32)
    edge_index = jax.random.randint(ks[1], (2, E), 0, N, dtype=jnp.int32)
    batch = jnp.sort(jax.random.randint(ks[2], (N,), 0, G, dtype=jnp.int32))
    s = 0.05
    # GraphConv params: lin_rel (weight+bias) applied to aggregated neighbors, lin_root (no bias) applied to x
    W_rel = jax.random.normal(ks[3], (GHC, D), dtype=jnp.float32) * s
    b_rel = jax.random.normal(ks[4], (GHC,), dtype=jnp.float32) * s
    W_root = jax.random.normal(ks[5], (GHC, D), dtype=jnp.float32) * s
    W1 = jax.random.normal(ks[6], (NHID, GHC), dtype=jnp.float32) * s
    b1 = jax.random.normal(ks[7], (NHID,), dtype=jnp.float32) * s
    W2 = jax.random.normal(ks[8], (NOUT, NHID), dtype=jnp.float32) * s
    b2 = jax.random.normal(ks[9], (NOUT,), dtype=jnp.float32) * s
    return {"x": x, "edge_index": edge_index, "batch": batch,
            "W_rel": W_rel, "b_rel": b_rel, "W_root": W_root,
            "W1": W1, "b1": b1, "W2": W2, "b2": b2}


def reference(x, edge_index, batch, W_rel, b_rel, W_root, W1, b1, W2, b2):
    src = edge_index[0]
    dst = edge_index[1]
    # GraphConv with aggr='add': out = lin_rel(sum_{j->i} x_j) + lin_root(x_i)
    msg = jnp.take(x, src, axis=0)
    agg = jax.ops.segment_sum(msg, dst, num_segments=N)
    h = agg @ W_rel.T + b_rel + x @ W_root.T
    h = jax.nn.relu(h)
    # global_max_pool over graph membership ids
    pooled = jax.ops.segment_max(h, batch, num_segments=G)
    h1 = jax.nn.relu(pooled @ W1.T + b1)
    out = h1 @ W2.T + b2
    return out

if __name__ == "__main__":
    import jax
    _d = setup_inputs()
    print(jax.jit(kernel)(*tuple(_d.values())))

</pallas_src>

<mosaic_0001>
#map = affine_map<(d0, d1) -> (0, 0, 0)>
#map1 = affine_map<(d0, d1) -> (0, 0)>
module attributes {stable_mosaic.version = 14 : i64} {
  func.func @k(%arg0: i32, %arg1: i32, %arg2: memref<2x4096x80xi32, #tpu.memory_space<hbm>>, %arg3: memref<10000x128xf32, #tpu.memory_space<hbm>>, %arg4: memref<2x10000x128xf32, #tpu.memory_space<hbm>>, %arg5: memref<16x80xi32, #tpu.memory_space<vmem>>, %arg6: memref<16x80xi32, #tpu.memory_space<vmem>>, %arg7: memref<80x128xf32, #tpu.memory_space<vmem>>, %arg8: memref<80x128xf32, #tpu.memory_space<vmem>>, %arg9: memref<80x128xf32, #tpu.memory_space<vmem>>, %arg10: memref<80x128xf32, #tpu.memory_space<vmem>>, %arg11: memref<10240x128xf32, #tpu.memory_space<vmem_shared>>, %arg12: memref<!tpu.dma_semaphore, #tpu.memory_space<semaphore_mem>>, %arg13: memref<!tpu.dma_semaphore, #tpu.memory_space<semaphore_mem>>, %arg14: memref<!tpu.dma_semaphore, #tpu.memory_space<semaphore_mem>>) attributes {dimension_semantics = [#tpu.dimension_semantics<core_parallel>, #tpu.dimension_semantics<subcore_parallel>], iteration_bounds = array<i64: 2, 16>, scalar_prefetch = 0 : i64, scratch_operands = 10 : i64, tpu.core_type = #tpu.core_type<sc_vector_subcore>, window_params = [{transform_indices = #map}, {transform_indices = #map1}, {transform_indices = #map}]} {
    %mul3A = arith.constant 16 : i32
    %mul3A_0 = arith.muli %arg0, %mul3A : i32
    %add3A = arith.addi %mul3A_0, %arg1 : i32
    %mul3A_1 = arith.constant 128 : i32
    %mul3A_2 = arith.muli %add3A, %mul3A_1 : i32
    %run_scoped3A = arith.constant 0 : i32
    "tpu.region"() ({
      %run_scoped3A_83 = tpu.sem_alloc : memref<!tpu.dma_semaphore, #tpu.memory_space<semaphore_mem>>
      %dma_start3A_84 = arith.constant 0 : i32
      %dma_start3A_85 = arith.constant 0 : i32
      %dma_start3A_86 = tpu.memref_slice %arg5[%dma_start3A_84, %dma_start3A_85] : memref<16x80xi32, #tpu.memory_space<vmem>> -> memref<8x80xi32, #tpu.memory_space<vmem>>
      %dma_start3A_87 = arith.constant 0 : i32
      %dma_start3A_88 = arith.constant 0 : i32
      %dma_start3A_89 = tpu.memref_slice %arg2[%run_scoped3A, %dma_start3A_87, %dma_start3A_88] : memref<2x4096x80xi32, #tpu.memory_space<hbm>> -> memref<1x4096x80xi32, #tpu.memory_space<hbm>>
      %dma_start3A_90 = tpu.memref_squeeze %dma_start3A_89 : memref<1x4096x80xi32, #tpu.memory_space<hbm>> -> memref<4096x80xi32, #tpu.memory_space<hbm>>
      %dma_start3A_91 = arith.constant 0 : i32
      %dma_start3A_92 = tpu.memref_slice %dma_start3A_90[%mul3A_2, %dma_start3A_91] : memref<4096x80xi32, #tpu.memory_space<hbm>> -> memref<8x80xi32, #tpu.memory_space<hbm>>
      %dma_start3A_93 = arith.constant 0 : i32
      %dma_start3A_94 = arith.constant 0 : i32
      %dma_start3A_95 = tpu.memref_slice %arg5[%dma_start3A_93, %dma_start3A_94] : memref<16x80xi32, #tpu.memory_space<vmem>> -> memref<8x80xi32, #tpu.memory_space<vmem>>
      %dma_start3A_96 = arith.constant 0 : i32
      %dma_start3A_97 = arith.constant 0 : i32
      %dma_start3A_98 = tpu.memref_slice %arg2[%run_scoped3A, %dma_start3A_96, %dma_start3A_97] : memref<2x4096x80xi32, #tpu.memory_space<hbm>> -> memref<1x4096x80xi32, #tpu.memory_space<hbm>>
      %dma_start3A_99 = tpu.memref_squeeze %dma_start3A_98 : memref<1x4096x80xi32, #tpu.memory_space<hbm>> -> memref<4096x80xi32, #tpu.memory_space<hbm>>
      %dma_start3A_100 = arith.constant 0 : i32
      %dma_start3A_101 = tpu.memref_slice %dma_start3A_99[%mul3A_2, %dma_start3A_100] : memref<4096x80xi32, #tpu.memory_space<hbm>> -> memref<8x80xi32, #tpu.memory_space<hbm>>
      tpu.enqueue_dma source(%dma_start3A_101 : memref<8x80xi32, #tpu.memory_space<hbm>>) target(%dma_start3A_95 : memref<8x80xi32, #tpu.memory_space<vmem>>) target_semaphore(%run_scoped3A_83 : memref<!tpu.dma_semaphore, #tpu.memory_space<semaphore_mem>>)
      %dma_wait3A_102 = arith.constant 0 : i32
      %dma_wait3A_103 = arith.constant 0 : i32
      %dma_wait3A_104 = tpu.memref_slice %arg5[%dma_wait3A_102, %dma_wait3A_103] : memref<16x80xi32, #tpu.memory_space<vmem>> -> memref<8x80xi32, #tpu.memory_space<vmem>>
      %dma_wait3A_105 = arith.constant 0 : i32
      %dma_wait3A_106 = arith.constant 0 : i32
      %dma_wait3A_107 = tpu.memref_slice %arg2[%run_scoped3A, %dma_wait3A_105, %dma_wait3A_106] : memref<2x4096x80xi32, #tpu.memory_space<hbm>> -> memref<1x4096x80xi32, #tpu.memory_space<hbm>>
      %dma_wait3A_108 = tpu.memref_squeeze %dma_wait3A_107 : memref<1x4096x80xi32, #tpu.memory_space<hbm>> -> memref<4096x80xi32, #tpu.memory_space<hbm>>
      %dma_wait3A_109 = arith.constant 0 : i32
      %dma_wait3A_110 = tpu.memref_slice %dma_wait3A_108[%mul3A_2, %dma_wait3A_109] : memref<4096x80xi32, #tpu.memory_space<hbm>> -> memref<8x80xi32, #tpu.memory_space<hbm>>
      %dma_wait3A_111 = arith.constant 0 : i32
      %dma_wait3A_112 = arith.constant 0 : i32
      %dma_wait3A_113 = tpu.memref_slice %arg5[%dma_wait3A_111, %dma_wait3A_112] : memref<16x80xi32, #tpu.memory_space<vmem>> -> memref<8x80xi32, #tpu.memory_space<vmem>>
      %dma_wait3A_114 = arith.constant 0 : i32
      %dma_wait3A_115 = arith.constant 0 : i32
      %dma_wait3A_116 = tpu.memref_slice %arg2[%run_scoped3A, %dma_wait3A_114, %dma_wait3A_115] : memref<2x4096x80xi32, #tpu.memory_space<hbm>> -> memref<1x4096x80xi32, #tpu.memory_space<hbm>>
      %dma_wait3A_117 = tpu.memref_squeeze %dma_wait3A_116 : memref<1x4096x80xi32, #tpu.memory_space<hbm>> -> memref<4096x80xi32, #tpu.memory_space<hbm>>
      %dma_wait3A_118 = arith.constant 0 : i32
      %dma_wait3A_119 = tpu.memref_slice %dma_wait3A_117[%mul3A_2, %dma_wait3A_118] : memref<4096x80xi32, #tpu.memory_space<hbm>> -> memref<8x80xi32, #tpu.memory_space<hbm>>
      tpu.wait_dma2 semaphore(%run_scoped3A_83 : memref<!tpu.dma_semaphore, #tpu.memory_space<semaphore_mem>>) src(%dma_wait3A_119 : memref<8x80xi32, #tpu.memory_space<hbm>>) dst(%dma_wait3A_113 : memref<8x80xi32, #tpu.memory_space<vmem>>)
      tpu.yield
    }) : () -> ()
    %run_scoped3A_3 = arith.constant 1 : i32
    "tpu.region"() ({
      %run_scoped3A_83 = tpu.sem_alloc : memref<!tpu.dma_semaphore, #tpu.memory_space<semaphore_mem>>
      %dma_start3A_84 = arith.constant 0 : i32
      %dma_start3A_85 = arith.constant 0 : i32
      %dma_start3A_86 = tpu.memref_slice %arg6[%dma_start3A_84, %dma_start3A_85] : memref<16x80xi32, #tpu.memory_space<vmem>> -> memref<8x80xi32, #tpu.memory_space<vmem>>
      %dma_start3A_87 = arith.constant 0 : i32
      %dma_start3A_88 = arith.constant 0 : i32
      %dma_start3A_89 = tpu.memref_slice %arg2[%run_scoped3A_3, %dma_start3A_87, %dma_start3A_88] : memref<2x4096x80xi32, #tpu.memory_space<hbm>> -> memref<1x4096x80xi32, #tpu.memory_space<hbm>>
      %dma_start3A_90 = tpu.memref_squeeze %dma_start3A_89 : memref<1x4096x80xi32, #tpu.memory_space<hbm>> -> memref<4096x80xi32, #tpu.memory_space<hbm>>
      %dma_start3A_91 = arith.constant 0 : i32
      %dma_start3A_92 = tpu.memref_slice %dma_start3A_90[%mul3A_2, %dma_start3A_91] : memref<4096x80xi32, #tpu.memory_space<hbm>> -> memref<8x80xi32, #tpu.memory_space<hbm>>
      %dma_start3A_93 = arith.constant 0 : i32
      %dma_start3A_94 = arith.constant 0 : i32
      %dma_start3A_95 = tpu.memref_slice %arg6[%dma_start3A_93, %dma_start3A_94] : memref<16x80xi32, #tpu.memory_space<vmem>> -> memref<8x80xi32, #tpu.memory_space<vmem>>
      %dma_start3A_96 = arith.constant 0 : i32
      %dma_start3A_97 = arith.constant 0 : i32
      %dma_start3A_98 = tpu.memref_slice %arg2[%run_scoped3A_3, %dma_start3A_96, %dma_start3A_97] : memref<2x4096x80xi32, #tpu.memory_space<hbm>> -> memref<1x4096x80xi32, #tpu.memory_space<hbm>>
      %dma_start3A_99 = tpu.memref_squeeze %dma_start3A_98 : memref<1x4096x80xi32, #tpu.memory_space<hbm>> -> memref<4096x80xi32, #tpu.memory_space<hbm>>
      %dma_start3A_100 = arith.constant 0 : i32
      %dma_start3A_101 = tpu.memref_slice %dma_start3A_99[%mul3A_2, %dma_start3A_100] : memref<4096x80xi32, #tpu.memory_space<hbm>> -> memref<8x80xi32, #tpu.memory_space<hbm>>
      tpu.enqueue_dma source(%dma_start3A_101 : memref<8x80xi32, #tpu.memory_space<hbm>>) target(%dma_start3A_95 : memref<8x80xi32, #tpu.memory_space<vmem>>) target_semaphore(%run_scoped3A_83 : memref<!tpu.dma_semaphore, #tpu.memory_space<semaphore_mem>>)
      %dma_wait3A_102 = arith.constant 0 : i32
      %dma_wait3A_103 = arith.constant 0 : i32
      %dma_wait3A_104 = tpu.memref_slice %arg6[%dma_wait3A_102, %dma_wait3A_103] : memref<16x80xi32, #tpu.memory_space<vmem>> -> memref<8x80xi32, #tpu.memory_space<vmem>>
      %dma_wait3A_105 = arith.constant 0 : i32
      %dma_wait3A_106 = arith.constant 0 : i32
      %dma_wait3A_107 = tpu.memref_slice %arg2[%run_scoped3A_3, %dma_wait3A_105, %dma_wait3A_106] : memref<2x4096x80xi32, #tpu.memory_space<hbm>> -> memref<1x4096x80xi32, #tpu.memory_space<hbm>>
      %dma_wait3A_108 = tpu.memref_squeeze %dma_wait3A_107 : memref<1x4096x80xi32, #tpu.memory_space<hbm>> -> memref<4096x80xi32, #tpu.memory_space<hbm>>
      %dma_wait3A_109 = arith.constant 0 : i32
      %dma_wait3A_110 = tpu.memref_slice %dma_wait3A_108[%mul3A_2, %dma_wait3A_109] : memref<4096x80xi32, #tpu.memory_space<hbm>> -> memref<8x80xi32, #tpu.memory_space<hbm>>
      %dma_wait3A_111 = arith.constant 0 : i32
      %dma_wait3A_112 = arith.constant 0 : i32
      %dma_wait3A_113 = tpu.memref_slice %arg6[%dma_wait3A_111, %dma_wait3A_112] : memref<16x80xi32, #tpu.memory_space<vmem>> -> memref<8x80xi32, #tpu.memory_space<vmem>>
      %dma_wait3A_114 = arith.constant 0 : i32
      %dma_wait3A_115 = arith.constant 0 : i32
      %dma_wait3A_116 = tpu.memref_slice %arg2[%run_scoped3A_3, %dma_wait3A_114, %dma_wait3A_115] : memref<2x4096x80xi32, #tpu.memory_space<hbm>> -> memref<1x4096x80xi32, #tpu.memory_space<hbm>>
      %dma_wait3A_117 = tpu.memref_squeeze %dma_wait3A_116 : memref<1x4096x80xi32, #tpu.memory_space<hbm>> -> memref<4096x80xi32, #tpu.memory_space<hbm>>
      %dma_wait3A_118 = arith.constant 0 : i32
      %dma_wait3A_119 = tpu.memref_slice %dma_wait3A_117[%mul3A_2, %dma_wait3A_118] : memref<4096x80xi32, #tpu.memory_space<hbm>> -> memref<8x80xi32, #tpu.memory_space<hbm>>
      tpu.wait_dma2 semaphore(%run_scoped3A_83 : memref<!tpu.dma_semaphore, #tpu.memory_space<semaphore_mem>>) src(%dma_wait3A_119 : memref<8x80xi32, #tpu.memory_space<hbm>>) dst(%dma_wait3A_113 : memref<8x80xi32, #tpu.memory_space<vmem>>)
      tpu.yield
    }) : () -> ()
    %dma_start3A = arith.constant 0 : i32
    %dma_start3A_4 = arith.constant 0 : i32
    %dma_start3A_5 = tpu.memref_slice %arg5[%dma_start3A, %dma_start3A_4] : memref<16x80xi32, #tpu.memory_space<vmem>> -> memref<1x80xi32, #tpu.memory_space<vmem>>
    %dma_start3A_6 = tpu.memref_squeeze %dma_start3A_5 : memref<1x80xi32, #tpu.memory_space<vmem>> -> memref<80xi32, #tpu.memory_space<vmem>>
    %dma_start3A_7 = arith.constant 0 : i32
    %dma_start3A_8 = arith.constant 0 : i32
    %dma_start3A_9 = tpu.memref_slice %arg3[%dma_start3A_7, %dma_start3A_8] : memref<10000x128xf32, #tpu.memory_space<hbm>> -> memref<10000x128xf32, #tpu.memory_space<hbm>>
    tpu.enqueue_indirect_dma source(%dma_start3A_9 : memref<10000x128xf32, #tpu.memory_space<hbm>>) target(%arg7 : memref<80x128xf32, #tpu.memory_space<vmem>>) offsets(%dma_start3A_6 : memref<80xi32, #tpu.memory_space<vmem>>) semaphore(%arg12 : memref<!tpu.dma_semaphore, #tpu.memory_space<semaphore_mem>>)
    %dma_start3A_10 = arith.constant 1 : i32
    %dma_start3A_11 = arith.constant 0 : i32
    %dma_start3A_12 = tpu.memref_slice %arg5[%dma_start3A_10, %dma_start3A_11] : memref<16x80xi32, #tpu.memory_space<vmem>> -> memref<1x80xi32, #tpu.memory_space<vmem>>
    %dma_start3A_13 = tpu.memref_squeeze %dma_start3A_12 : memref<1x80xi32, #tpu.memory_space<vmem>> -> memref<80xi32, #tpu.memory_space<vmem>>
    %dma_start3A_14 = arith.constant 0 : i32
    %dma_start3A_15 = arith.constant 0 : i32
    %dma_start3A_16 = tpu.memref_slice %arg3[%dma_start3A_14, %dma_start3A_15] : memref<10000x128xf32, #tpu.memory_space<hbm>> -> memref<10000x128xf32, #tpu.memory_space<hbm>>
    tpu.enqueue_indirect_dma source(%dma_start3A_16 : memref<10000x128xf32, #tpu.memory_space<hbm>>) target(%arg8 : memref<80x128xf32, #tpu.memory_space<vmem>>) offsets(%dma_start3A_13 : memref<80xi32, #tpu.memory_space<vmem>>) semaphore(%arg12 : memref<!tpu.dma_semaphore, #tpu.memory_space<semaphore_mem>>)
    %broadcast_in_dim3A = arith.constant 0.000000e+00 : f32
    %broadcast_in_dim3A_17 = vector.broadcast %broadcast_in_dim3A : f32 to vector<16xf32>
    %scan3A = arith.constant 0 : i32
    %scan3A_18 = arith.constant 0 : i32
    %scan3A_19 = arith.constant 80 : i32
    %scan3A_20 = arith.addi %scan3A_18, %scan3A_19 : i32
    %scan3A_21 = arith.constant 1 : i32
    scf.for %scan3A_83 = %scan3A_18 to %scan3A_20 step %scan3A_21  : i32 {
      %swap3A = arith.index_cast %scan3A_83 : i32 to index
      %swap3A_84 = arith.constant 0 : index
      %swap3A_85 = tpu.vector_load %arg9[%swap3A, %swap3A_84] {strides = array<i32>} : memref<80x128xf32, #tpu.memory_space<vmem>>, vector<1x16xf32>,
      %swap3A_86 = vector.shape_cast %swap3A_85 : vector<1x16xf32> to vector<16xf32>
      %swap3A_87 = vector.shape_cast %broadcast_in_dim3A_17 : vector<16xf32> to vector<1x16xf32>
      tpu.vector_store %arg9[%swap3A, %swap3A_84], %swap3A_87 {strides = array<i32>} : memref<80x128xf32, #tpu.memory_space<vmem>>, vector<1x16xf32>,
      %swap3A_88 = arith.index_cast %scan3A_83 : i32 to index
      %swap3A_89 = arith.constant 16 : index
      %swap3A_90 = tpu.vector_load %arg9[%swap3A_88, %swap3A_89] {strides = array<i32>} : memref<80x128xf32, #tpu.memory_space<vmem>>, vector<1x16xf32>,
      %swap3A_91 = vector.shape_cast %swap3A_90 : vector<1x16xf32> to vector<16xf32>
      %swap3A_92 = vector.shape_cast %broadcast_in_dim3A_17 : vector<16xf32> to vector<1x16xf32>
      tpu.vector_store %arg9[%swap3A_88, %swap3A_89], %swap3A_92 {strides = array<i32>} : memref<80x128xf32, #tpu.memory_space<vmem>>, vector<1x16xf32>,
      %swap3A_93 = arith.index_cast %scan3A_83 : i32 to index
      %swap3A_94 = arith.constant 32 : index
      %swap3A_95 = tpu.vector_load %arg9[%swap3A_93, %swap3A_94] {strides = array<i32>} : memref<80x128xf32, #tpu.memory_space<vmem>>, vector<1x16xf32>,
      %swap3A_96 = vector.shape_cast %swap3A_95 : vector<1x16xf32> to vector<16xf32>
      %swap3A_97 = vector.shape_cast %broadcast_in_dim3A_17 : vector<16xf32> to vector<1x16xf32>
      tpu.vector_store %arg9[%swap3A_93, %swap3A_94], %swap3A_97 {strides = array<i32>} : memref<80x128xf32, #tpu.memory_space<vmem>>, vector<1x16xf32>,
      %swap3A_98 = arith.index_cast %scan3A_83 : i32 to index
      %swap3A_99 = arith.constant 48 : index
      %swap3A_100 = tpu.vector_load %arg9[%swap3A_98, %swap3A_99] {strides = array<i32>} : memref<80x128xf32, #tpu.memory_space<vmem>>, vector<1x16xf32>,
      %swap3A_101 = vector.shape_cast %swap3A_100 : vector<1x16xf32> to vector<16xf32>
      %swap3A_102 = vector.shape_cast %broadcast_in_dim3A_17 : vector<16xf32> to vector<1x16xf32>
      tpu.vector_store %arg9[%swap3A_98, %swap3A_99], %swap3A_102 {strides = array<i32>} : memref<80x128xf32, #tpu.memory_space<vmem>>, vector<1x16xf32>,
      %swap3A_103 = arith.index_cast %scan3A_83 : i32 to index
      %swap3A_104 = arith.constant 64 : index
      %swap3A_105 = tpu.vector_load %arg9[%swap3A_103, %swap3A_104] {strides = array<i32>} : memref<80x128xf32, #tpu.memory_space<vmem>>, vector<1x16xf32>,
      %swap3A_106 = vector.shape_cast %swap3A_105 : vector<1x16xf32> to vector<16xf32>
      %swap3A_107 = vector.shape_cast %broadcast_in_dim3A_17 : vector<16xf32> to vector<1x16xf32>
      tpu.vector_store %arg9[%swap3A_103, %swap3A_104], %swap3A_107 {strides = array<i32>} : memref<80x128xf32, #tpu.memory_space<vmem>>, vector<1x16xf32>,
      %swap3A_108 = arith.index_cast %scan3A_83 : i32 to index
      %swap3A_109 = arith.constant 80 : index
      %swap3A_110 = tpu.vector_load %arg9[%swap3A_108, %swap3A_109] {strides = array<i32>} : memref<80x128xf32, #tpu.memory_space<vmem>>, vector<1x16xf32>,
      %swap3A_111 = vector.shape_cast %swap3A_110 : vector<1x16xf32> to vector<16xf32>
      %swap3A_112 = vector.shape_cast %broadcast_in_dim3A_17 : vector<16xf32> to vector<1x16xf32>
      tpu.vector_store %arg9[%swap3A_108, %swap3A_109], %swap3A_112 {strides = array<i32>} : memref<80x128xf32, #tpu.memory_space<vmem>>, vector<1x16xf32>,
      %swap3A_113 = arith.index_cast %scan3A_83 : i32 to index
      %swap3A_114 = arith.constant 96 : index
      %swap3A_115 = tpu.vector_load %arg9[%swap3A_113, %swap3A_114] {strides = array<i32>} : memref<80x128xf32, #tpu.memory_space<vmem>>, vector<1x16xf32>,
      %swap3A_116 = vector.shape_cast %swap3A_115 : vector<1x16xf32> to vector<16xf32>
      %swap3A_117 = vector.shape_cast %broadcast_in_dim3A_17 : vector<16xf32> to vector<1x16xf32>
      tpu.vector_store %arg9[%swap3A_113, %swap3A_114], %swap3A_117 {strides = array<i32>} : memref<80x128xf32, #tpu.memory_space<vmem>>, vector<1x16xf32>,
      %swap3A_118 = arith.index_cast %scan3A_83 : i32 to index
      %swap3A_119 = arith.constant 112 : index
      %swap3A_120 = tpu.vector_load %arg9[%swap3A_118, %swap3A_119] {strides = array<i32>} : memref<80x128xf32, #tpu.memory_space<vmem>>, vector<1x16xf32>,
      %swap3A_121 = vector.shape_cast %swap3A_120 : vector<1x16xf32> to vector<16xf32>
      %swap3A_122 = vector.shape_cast %broadcast_in_dim3A_17 : vector<16xf32> to vector<1x16xf32>
      tpu.vector_store %arg9[%swap3A_118, %swap3A_119], %swap3A_122 {strides = array<i32>} : memref<80x128xf32, #tpu.memory_space<vmem>>, vector<1x16xf32>,
    }
    %scan3A_22 = arith.constant 80 : i32
    %mul3A_23 = arith.constant 640 : i32
    %mul3A_24 = arith.muli %arg1, %mul3A_23 : i32
    %add3A_25 = arith.constant 0 : i32
    %add3A_26 = arith.addi %mul3A_24, %add3A_25 : i32
    "tpu.region"() ({
      %run_scoped3A_83 = tpu.sem_alloc : memref<!tpu.dma_semaphore, #tpu.memory_space<semaphore_mem>>
      %dma_start3A_84 = arith.constant 0 : i32
      %dma_start3A_85 = tpu.memref_slice %arg11[%add3A_26, %dma_start3A_84] : memref<10240x128xf32, #tpu.memory_space<vmem_shared>> -> memref<80x128xf32, #tpu.memory_space<vmem_shared>>
      %dma_start3A_86 = arith.constant 0 : i32
      %dma_start3A_87 = tpu.memref_slice %arg11[%add3A_26, %dma_start3A_86] : memref<10240x128xf32, #tpu.memory_space<vmem_shared>> -> memref<80x128xf32, #tpu.memory_space<vmem_shared>>
      tpu.enqueue_dma source(%arg9 : memref<80x128xf32, #tpu.memory_space<vmem>>) target(%dma_start3A_87 : memref<80x128xf32, #tpu.memory_space<vmem_shared>>) target_semaphore(%run_scoped3A_83 : memref<!tpu.dma_semaphore, #tpu.memory_space<semaphore_mem>>)
      %dma_wait3A_88 = arith.constant 0 : i32
      %dma_wait3A_89 = tpu.memref_slice %arg11[%add3A_26, %dma_wait3A_88] : memref<10240x128xf32, #tpu.memory_space<vmem_shared>> -> memref<80x128xf32, #tpu.memory_space<vmem_shared>>
      %dma_wait3A_90 = arith.constant 0 : i32
      %dma_wait3A_91 = tpu.memref_slice %arg11[%add3A_26, %dma_wait3A_90] : memref<10240x128xf32, #tpu.memory_space<vmem_shared>> -> memref<80x128xf32, #tpu.memory_space<vmem_shared>>
      tpu.wait_dma2 semaphore(%run_scoped3A_83 : memref<!tpu.dma_semaphore, #tpu.memory_space<semaphore_mem>>) src(%arg9 : memref<80x128xf32, #tpu.memory_space<vmem>>) dst(%dma_wait3A_91 : memref<80x128xf32, #tpu.memory_space<vmem_shared>>)
      tpu.yield
    }) : () -> ()
    %mul3A_27 = arith.constant 640 : i32
    %mul3A_28 = arith.muli %arg1, %mul3A_27 : i32
    %add3A_29 = arith.constant 80 : i32
    %add3A_30 = arith.addi %mul3A_28, %add3A_29 : i32
    "tpu.region"() ({
      %run_scoped3A_83 = tpu.sem_alloc : memref<!tpu.dma_semaphore, #tpu.memory_space<semaphore_mem>>
      %dma_start3A_84 = arith.constant 0 : i32
      %dma_start3A_85 = tpu.memref_slice %arg11[%add3A_30, %dma_start3A_84] : memref<10240x128xf32, #tpu.memory_space<vmem_shared>> -> memref<80x128xf32, #tpu.memory_space<vmem_shared>>
      %dma_start3A_86 = arith.constant 0 : i32
      %dma_start3A_87 = tpu.memref_slice %arg11[%add3A_30, %dma_start3A_86] : memref<10240x128xf32, #tpu.memory_space<vmem_shared>> -> memref<80x128xf32, #tpu.memory_space<vmem_shared>>
      tpu.enqueue_dma source(%arg9 : memref<80x128xf32, #tpu.memory_space<vmem>>) target(%dma_start3A_87 : memref<80x128xf32, #tpu.memory_space<vmem_shared>>) target_semaphore(%run_scoped3A_83 : memref<!tpu.dma_semaphore, #tpu.memory_space<semaphore_mem>>)
      %dma_wait3A_88 = arith.constant 0 : i32
      %dma_wait3A_89 = tpu.memref_slice %arg11[%add3A_30, %dma_wait3A_88] : memref<10240x128xf32, #tpu.memory_space<vmem_shared>> -> memref<80x128xf32, #tpu.memory_space<vmem_shared>>
      %dma_wait3A_90 = arith.constant 0 : i32
      %dma_wait3A_91 = tpu.memref_slice %arg11[%add3A_30, %dma_wait3A_90] : memref<10240x128xf32, #tpu.memory_space<vmem_shared>> -> memref<80x128xf32, #tpu.memory_space<vmem_shared>>
      tpu.wait_dma2 semaphore(%run_scoped3A_83 : memref<!tpu.dma_semaphore, #tpu.memory_space<semaphore_mem>>) src(%arg9 : memref<80x128xf32, #tpu.memory_space<vmem>>) dst(%dma_wait3A_91 : memref<80x128xf32, #tpu.memory_space<vmem_shared>>)
      tpu.yield
    }) : () -> ()
    %mul3A_31 = arith.constant 640 : i32
    %mul3A_32 = arith.muli %arg1, %mul3A_31 : i32
    %add3A_33 = arith.constant 160 : i32
    %add3A_34 = arith.addi %mul3A_32, %add3A_33 : i32
    "tpu.region"() ({
      %run_scoped3A_83 = tpu.sem_alloc : memref<!tpu.dma_semaphore, #tpu.memory_space<semaphore_mem>>
      %dma_start3A_84 = arith.constant 0 : i32
      %dma_start3A_85 = tpu.memref_slice %arg11[%add3A_34, %dma_start3A_84] : memref<10240x128xf32, #tpu.memory_space<vmem_shared>> -> memref<80x128xf32, #tpu.memory_space<vmem_shared>>
      %dma_start3A_86 = arith.constant 0 : i32
      %dma_start3A_87 = tpu.memref_slice %arg11[%add3A_34, %dma_start3A_86] : memref<10240x128xf32, #tpu.memory_space<vmem_shared>> -> memref<80x128xf32, #tpu.memory_space<vmem_shared>>
      tpu.enqueue_dma source(%arg9 : memref<80x128xf32, #tpu.memory_space<vmem>>) target(%dma_start3A_87 : memref<80x128xf32, #tpu.memory_space<vmem_shared>>) target_semaphore(%run_scoped3A_83 : memref<!tpu.dma_semaphore, #tpu.memory_space<semaphore_mem>>)
      %dma_wait3A_88 = arith.constant 0 : i32
      %dma_wait3A_89 = tpu.memref_slice %arg11[%add3A_34, %dma_wait3A_88] : memref<10240x128xf32, #tpu.memory_space<vmem_shared>> -> memref<80x128xf32, #tpu.memory_space<vmem_shared>>
      %dma_wait3A_90 = arith.constant 0 : i32
      %dma_wait3A_91 = tpu.memref_slice %arg11[%add3A_34, %dma_wait3A_90] : memref<10240x128xf32, #tpu.memory_space<vmem_shared>> -> memref<80x128xf32, #tpu.memory_space<vmem_shared>>
      tpu.wait_dma2 semaphore(%run_scoped3A_83 : memref<!tpu.dma_semaphore, #tpu.memory_space<semaphore_mem>>) src(%arg9 : memref<80x128xf32, #tpu.memory_space<vmem>>) dst(%dma_wait3A_91 : memref<80x128xf32, #tpu.memory_space<vmem_shared>>)
      tpu.yield
    }) : () -> ()
    %mul3A_35 = arith.constant 640 : i32
    %mul3A_36 = arith.muli %arg1, %mul3A_35 : i32
    %add3A_37 = arith.constant 240 : i32
    %add3A_38 = arith.addi %mul3A_36, %add3A_37 : i32
    "tpu.region"() ({
      %run_scoped3A_83 = tpu.sem_alloc : memref<!tpu.dma_semaphore, #tpu.memory_space<semaphore_mem>>
      %dma_start3A_84 = arith.constant 0 : i32
      %dma_start3A_85 = tpu.memref_slice %arg11[%add3A_38, %dma_start3A_84] : memref<10240x128xf32, #tpu.memory_space<vmem_shared>> -> memref<80x128xf32, #tpu.memory_space<vmem_shared>>
      %dma_start3A_86 = arith.constant 0 : i32
      %dma_start3A_87 = tpu.memref_slice %arg11[%add3A_38, %dma_start3A_86] : memref<10240x128xf32, #tpu.memory_space<vmem_shared>> -> memref<80x128xf32, #tpu.memory_space<vmem_shared>>
      tpu.enqueue_dma source(%arg9 : memref<80x128xf32, #tpu.memory_space<vmem>>) target(%dma_start3A_87 : memref<80x128xf32, #tpu.memory_space<vmem_shared>>) target_semaphore(%run_scoped3A_83 : memref<!tpu.dma_semaphore, #tpu.memory_space<semaphore_mem>>)
      %dma_wait3A_88 = arith.constant 0 : i32
      %dma_wait3A_89 = tpu.memref_slice %arg11[%add3A_38, %dma_wait3A_88] : memref<10240x128xf32, #tpu.memory_space<vmem_shared>> -> memref<80x128xf32, #tpu.memory_space<vmem_shared>>
      %dma_wait3A_90 = arith.constant 0 : i32
      %dma_wait3A_91 = tpu.memref_slice %arg11[%add3A_38, %dma_wait3A_90] : memref<10240x128xf32, #tpu.memory_space<vmem_shared>> -> memref<80x128xf32, #tpu.memory_space<vmem_shared>>
      tpu.wait_dma2 semaphore(%run_scoped3A_83 : memref<!tpu.dma_semaphore, #tpu.memory_space<semaphore_mem>>) src(%arg9 : memref<80x128xf32, #tpu.memory_space<vmem>>) dst(%dma_wait3A_91 : memref<80x128xf32, #tpu.memory_space<vmem_shared>>)
      tpu.yield
    }) : () -> ()
    %mul3A_39 = arith.constant 640 : i32
    %mul3A_40 = arith.muli %arg1, %mul3A_39 : i32
    %add3A_41 = arith.constant 320 : i32
    %add3A_42 = arith.addi %mul3A_40, %add3A_41 : i32
    "tpu.region"() ({
      %run_scoped3A_83 = tpu.sem_alloc : memref<!tpu.dma_semaphore, #tpu.memory_space<semaphore_mem>>
      %dma_start3A_84 = arith.constant 0 : i32
      %dma_start3A_85 = tpu.memref_slice %arg11[%add3A_42, %dma_start3A_84] : memref<10240x128xf32, #tpu.memory_space<vmem_shared>> -> memref<80x128xf32, #tpu.memory_space<vmem_shared>>
      %dma_start3A_86 = arith.constant 0 : i32
      %dma_start3A_87 = tpu.memref_slice %arg11[%add3A_42, %dma_start3A_86] : memref<10240x128xf32, #tpu.memory_space<vmem_shared>> -> memref<80x128xf32, #tpu.memory_space<vmem_shared>>
      tpu.enqueue_dma source(%arg9 : memref<80x128xf32, #tpu.memory_space<vmem>>) target(%dma_start3A_87 : memref<80x128xf32, #tpu.memory_space<vmem_shared>>) target_semaphore(%run_scoped3A_83 : memref<!tpu.dma_semaphore, #tpu.memory_space<semaphore_mem>>)
      %dma_wait3A_88 = arith.constant 0 : i32
      %dma_wait3A_89 = tpu.memref_slice %arg11[%add3A_42, %dma_wait3A_88] : memref<10240x128xf32, #tpu.memory_space<vmem_shared>> -> memref<80x128xf32, #tpu.memory_space<vmem_shared>>
      %dma_wait3A_90 = arith.constant 0 : i32
      %dma_wait3A_91 = tpu.memref_slice %arg11[%add3A_42, %dma_wait3A_90] : memref<10240x128xf32, #tpu.memory_space<vmem_shared>> -> memref<80x128xf32, #tpu.memory_space<vmem_shared>>
      tpu.wait_dma2 semaphore(%run_scoped3A_83 : memref<!tpu.dma_semaphore, #tpu.memory_space<semaphore_mem>>) src(%arg9 : memref<80x128xf32, #tpu.memory_space<vmem>>) dst(%dma_wait3A_91 : memref<80x128xf32, #tpu.memory_space<vmem_shared>>)
      tpu.yield
    }) : () -> ()
    %mul3A_43 = arith.constant 640 : i32
    %mul3A_44 = arith.muli %arg1, %mul3A_43 : i32
    %add3A_45 = arith.constant 400 : i32
    %add3A_46 = arith.addi %mul3A_44, %add3A_45 : i32
    "tpu.region"() ({
      %run_scoped3A_83 = tpu.sem_alloc : memref<!tpu.dma_semaphore, #tpu.memory_space<semaphore_mem>>
      %dma_start3A_84 = arith.constant 0 : i32
      %dma_start3A_85 = tpu.memref_slice %arg11[%add3A_46, %dma_start3A_84] : memref<10240x128xf32, #tpu.memory_space<vmem_shared>> -> memref<80x128xf32, #tpu.memory_space<vmem_shared>>
      %dma_start3A_86 = arith.constant 0 : i32
      %dma_start3A_87 = tpu.memref_slice %arg11[%add3A_46, %dma_start3A_86] : memref<10240x128xf32, #tpu.memory_space<vmem_shared>> -> memref<80x128xf32, #tpu.memory_space<vmem_shared>>
      tpu.enqueue_dma source(%arg9 : memref<80x128xf32, #tpu.memory_space<vmem>>) target(%dma_start3A_87 : memref<80x128xf32, #tpu.memory_space<vmem_shared>>) target_semaphore(%run_scoped3A_83 : memref<!tpu.dma_semaphore, #tpu.memory_space<semaphore_mem>>)
      %dma_wait3A_88 = arith.constant 0 : i32
      %dma_wait3A_89 = tpu.memref_slice %arg11[%add3A_46, %dma_wait3A_88] : memref<10240x128xf32, #tpu.memory_space<vmem_shared>> -> memref<80x128xf32, #tpu.memory_space<vmem_shared>>
      %dma_wait3A_90 = arith.constant 0 : i32
      %dma_wait3A_91 = tpu.memref_slice %arg11[%add3A_46, %dma_wait3A_90] : memref<10240x128xf32, #tpu.memory_space<vmem_shared>> -> memref<80x128xf32, #tpu.memory_space<vmem_shared>>
      tpu.wait_dma2 semaphore(%run_scoped3A_83 : memref<!tpu.dma_semaphore, #tpu.memory_space<semaphore_mem>>) src(%arg9 : memref<80x128xf32, #tpu.memory_space<vmem>>) dst(%dma_wait3A_91 : memref<80x128xf32, #tpu.memory_space<vmem_shared>>)
      tpu.yield
    }) : () -> ()
    %mul3A_47 = arith.constant 640 : i32
    %mul3A_48 = arith.muli %arg1, %mul3A_47 : i32
    %add3A_49 = arith.constant 480 : i32
    %add3A_50 = arith.addi %mul3A_48, %add3A_49 : i32
    "tpu.region"() ({
      %run_scoped3A_83 = tpu.sem_alloc : memref<!tpu.dma_semaphore, #tpu.memory_space<semaphore_mem>>
      %dma_start3A_84 = arith.constant 0 : i32
      %dma_start3A_85 = tpu.memref_slice %arg11[%add3A_50, %dma_start3A_84] : memref<10240x128xf32, #tpu.memory_space<vmem_shared>> -> memref<80x128xf32, #tpu.memory_space<vmem_shared>>
      %dma_start3A_86 = arith.constant 0 : i32
      %dma_start3A_87 = tpu.memref_slice %arg11[%add3A_50, %dma_start3A_86] : memref<10240x128xf32, #tpu.memory_space<vmem_shared>> -> memref<80x128xf32, #tpu.memory_space<vmem_shared>>
      tpu.enqueue_dma source(%arg9 : memref<80x128xf32, #tpu.memory_space<vmem>>) target(%dma_start3A_87 : memref<80x128xf32, #tpu.memory_space<vmem_shared>>) target_semaphore(%run_scoped3A_83 : memref<!tpu.dma_semaphore, #tpu.memory_space<semaphore_mem>>)
      %dma_wait3A_88 = arith.constant 0 : i32
      %dma_wait3A_89 = tpu.memref_slice %arg11[%add3A_50, %dma_wait3A_88] : memref<10240x128xf32, #tpu.memory_space<vmem_shared>> -> memref<80x128xf32, #tpu.memory_space<vmem_shared>>
      %dma_wait3A_90 = arith.constant 0 : i32
      %dma_wait3A_91 = tpu.memref_slice %arg11[%add3A_50, %dma_wait3A_90] : memref<10240x128xf32, #tpu.memory_space<vmem_shared>> -> memref<80x128xf32, #tpu.memory_space<vmem_shared>>
      tpu.wait_dma2 semaphore(%run_scoped3A_83 : memref<!tpu.dma_semaphore, #tpu.memory_space<semaphore_mem>>) src(%arg9 : memref<80x128xf32, #tpu.memory_space<vmem>>) dst(%dma_wait3A_91 : memref<80x128xf32, #tpu.memory_space<vmem_shared>>)
      tpu.yield
    }) : () -> ()
    %mul3A_51 = arith.constant 640 : i32
    %mul3A_52 = arith.muli %arg1, %mul3A_51 : i32
    %add3A_53 = arith.constant 560 : i32
    %add3A_54 = arith.addi %mul3A_52, %add3A_53 : i32
    "tpu.region"() ({
      %run_scoped3A_83 = tpu.sem_alloc : memref<!tpu.dma_semaphore, #tpu.memory_space<semaphore_mem>>
      %dma_start3A_84 = arith.constant 0 : i32
      %dma_start3A_85 = tpu.memref_slice %arg11[%add3A_54, %dma_start3A_84] : memref<10240x128xf32, #tpu.memory_space<vmem_shared>> -> memref<80x128xf32, #tpu.memory_space<vmem_shared>>
      %dma_start3A_86 = arith.constant 0 : i32
      %dma_start3A_87 = tpu.memref_slice %arg11[%add3A_54, %dma_start3A_86] : memref<10240x128xf32, #tpu.memory_space<vmem_shared>> -> memref<80x128xf32, #tpu.memory_space<vmem_shared>>
      tpu.enqueue_dma source(%arg9 : memref<80x128xf32, #tpu.memory_space<vmem>>) target(%dma_start3A_87 : memref<80x128xf32, #tpu.memory_space<vmem_shared>>) target_semaphore(%run_scoped3A_83 : memref<!tpu.dma_semaphore, #tpu.memory_space<semaphore_mem>>)
      %dma_wait3A_88 = arith.constant 0 : i32
      %dma_wait3A_89 = tpu.memref_slice %arg11[%add3A_54, %dma_wait3A_88] : memref<10240x128xf32, #tpu.memory_space<vmem_shared>> -> memref<80x128xf32, #tpu.memory_space<vmem_shared>>
      %dma_wait3A_90 = arith.constant 0 : i32
      %dma_wait3A_91 = tpu.memref_slice %arg11[%add3A_54, %dma_wait3A_90] : memref<10240x128xf32, #tpu.memory_space<vmem_shared>> -> memref<80x128xf32, #tpu.memory_space<vmem_shared>>
      tpu.wait_dma2 semaphore(%run_scoped3A_83 : memref<!tpu.dma_semaphore, #tpu.memory_space<semaphore_mem>>) src(%arg9 : memref<80x128xf32, #tpu.memory_space<vmem>>) dst(%dma_wait3A_91 : memref<80x128xf32, #tpu.memory_space<vmem_shared>>)
      tpu.yield
    }) : () -> ()
    %barrier3A = arith.constant 0 : index
    tpu.barrier barrier_id(%barrier3A)
    %scan3A_55 = arith.constant 0 : i32
    %scan3A_56 = arith.constant 0 : i32
    %scan3A_57 = arith.constant 1 : i32
    %scan3A_58 = arith.constant 0 : i32
    %scan3A_59 = arith.constant 16 : i32
    %scan3A_60 = arith.addi %scan3A_58, %scan3A_59 : i32
    %scan3A_61 = arith.constant 1 : i32
    scf.for %scan3A_83 = %scan3A_58 to %scan3A_60 step %scan3A_61  : i32 {
      %mul3A_84 = arith.constant 8 : i32
      %mul3A_85 = arith.muli %scan3A_83, %mul3A_84 : i32
      %add3A_86 = arith.constant 0 : i32
      %add3A_87 = arith.addi %mul3A_85, %add3A_86 : i32
      %jit3A = arith.constant 16 : i32
      %eq3A_88 = arith.constant 0 : i32
      %eq3A_89 = arith.cmpi eq, %jit3A, %eq3A_88 : i32
      %jit3A_90 = arith.constant 1 : i32
      %select_n3A = arith.select %eq3A_89, %jit3A_90, %jit3A : i32
      %rem3A = arith.remsi %add3A_87, %select_n3A : i32
      %ne3A = arith.constant 0 : i32
      %ne3A_91 = arith.cmpi ne, %rem3A, %ne3A : i32
      %lt3A = arith.constant 0 : i32
      %lt3A_92 = arith.cmpi slt, %rem3A, %lt3A : i32
      %lt3A_93 = arith.constant 0 : i32
      %lt3A_94 = arith.cmpi slt, %select_n3A, %lt3A_93 : i32
      %ne3A_95 = arith.xori %lt3A_92, %lt3A_94 : i1
      %and3A = arith.andi %ne3A_95, %ne3A_91 : i1
      %add3A_96 = arith.addi %rem3A, %select_n3A : i32
      %select_n3A_97 = arith.select %and3A, %add3A_96, %rem3A : i32
      %ge3A = arith.constant 2 : i32
      %ge3A_98 = arith.cmpi sge, %add3A_87, %ge3A : i32
      %convert_element_type3A_99 = arith.extui %ge3A_98 : i1 to i32
      %cond3A_100 = arith.constant 0 : i32
      %cond3A_101 = arith.cmpi ne, %convert_element_type3A_99, %cond3A_100 : i32
      scf.if %cond3A_101 {
        %dma_wait3A_429 = arith.constant 0 : i32
        %dma_wait3A_430 = tpu.memref_slice %arg6[%select_n3A_97, %dma_wait3A_429] : memref<16x80xi32, #tpu.memory_space<vmem>> -> memref<1x80xi32, #tpu.memory_space<vmem>>
        %dma_wait3A_431 = tpu.memref_squeeze %dma_wait3A_430 : memref<1x80xi32, #tpu.memory_space<vmem>> -> memref<80xi32, #tpu.memory_space<vmem>>
        %dma_wait3A_432 = arith.constant 0 : i32
        %dma_wait3A_433 = arith.constant 0 : i32
        %dma_wait3A_434 = tpu.memref_slice %arg11[%dma_wait3A_432, %dma_wait3A_433] : memref<10240x128xf32, #tpu.memory_space<vmem_shared>> -> memref<10240x128xf32, #tpu.memory_space<vmem_shared>>
        tpu.wait_indirect_dma semaphore(%arg13 : memref<!tpu.dma_semaphore, #tpu.memory_space<semaphore_mem>>) src(%arg9 : memref<80x128xf32, #tpu.memory_space<vmem>>) dst(%dma_wait3A_434 : memref<10240x128xf32, #tpu.memory_space<vmem_shared>>)
      } else {
      }
      %add3A_102 = arith.constant 2 : i32
      %add3A_103 = arith.addi %add3A_87, %add3A_102 : i32
      %lt3A_104 = arith.constant 128 : i32
      %lt3A_105 = arith.cmpi slt, %add3A_103, %lt3A_104 : i32
      %convert_element_type3A_106 = arith.extui %lt3A_105 : i1 to i32
      %cond3A_107 = arith.constant 0 : i32
      %cond3A_108 = arith.cmpi ne, %convert_element_type3A_106, %cond3A_107 : i32
      scf.if %cond3A_108 {
        %add3A_429 = arith.constant 2 : i32
        %add3A_430 = arith.addi %add3A_87, %add3A_429 : i32
        %jit3A_431 = arith.constant 16 : i32
        %eq3A_432 = arith.constant 0 : i32
        %eq3A_433 = arith.cmpi eq, %jit3A_431, %eq3A_432 : i32
        %jit3A_434 = arith.constant 1 : i32
        %select_n3A_435 = arith.select %eq3A_433, %jit3A_434, %jit3A_431 : i32
        %rem3A_436 = arith.remsi %add3A_430, %select_n3A_435 : i32
        %ne3A_437 = arith.constant 0 : i32
        %ne3A_438 = arith.cmpi ne, %rem3A_436, %ne3A_437 : i32
        %lt3A_439 = arith.constant 0 : i32
        %lt3A_440 = arith.cmpi slt, %rem3A_436, %lt3A_439 : i32
        %lt3A_441 = arith.constant 0 : i32
        %lt3A_442 = arith.cmpi slt, %select_n3A_435, %lt3A_441 : i32
        %ne3A_443 = arith.xori %lt3A_440, %lt3A_442 : i1
        %and3A_444 = arith.andi %ne3A_443, %ne3A_438 : i1
        %add3A_445 = arith.addi %rem3A_436, %select_n3A_435 : i32
        %select_n3A_446 = arith.select %and3A_444, %add3A_445, %rem3A_436 : i32
        %dma_start3A_447 = arith.constant 0 : i32
        %dma_start3A_448 = tpu.memref_slice %arg5[%select_n3A_446, %dma_start3A_447] : memref<16x80xi32, #tpu.memory_space<vmem>> -> memref<1x80xi32, #tpu.memory_space<vmem>>
        %dma_start3A_449 = tpu.memref_squeeze %dma_start3A_448 : memref<1x80xi32, #tpu.memory_space<vmem>> -> memref<80xi32, #tpu.memory_space<vmem>>
        %dma_start3A_450 = arith.constant 0 : i32
        %dma_start3A_451 = arith.constant 0 : i32
        %dma_start3A_452 = tpu.memref_slice %arg3[%dma_start3A_450, %dma_start3A_451] : memref<10000x128xf32, #tpu.memory_space<hbm>> -> memref<10000x128xf32, #tpu.memory_space<hbm>>
        tpu.enqueue_indirect_dma source(%dma_start3A_452 : memref<10000x128xf32, #tpu.memory_space<hbm>>) target(%arg9 : memref<80x128xf32, #tpu.memory_space<vmem>>) offsets(%dma_start3A_449 : memref<80xi32, #tpu.memory_space<vmem>>) semaphore(%arg12 : memref<!tpu.dma_semaphore, #tpu.memory_space<semaphore_mem>>)
      } else {
      }
      %dma_wait3A_109 = arith.constant 0 : i32
      %dma_wait3A_110 = tpu.memref_slice %arg5[%select_n3A_97, %dma_wait3A_109] : memref<16x80xi32, #tpu.memory_space<vmem>> -> memref<1x80xi32, #tpu.memory_space<vmem>>
      %dma_wait3A_111 = tpu.memref_squeeze %dma_wait3A_110 : memref<1x80xi32, #tpu.memory_space<vmem>> -> memref<80xi32, #tpu.memory_space<vmem>>
      %dma_wait3A_112 = arith.constant 0 : i32
      %dma_wait3A_113 = arith.constant 0 : i32
      %dma_wait3A_114 = tpu.memref_slice %arg3[%dma_wait3A_112, %dma_wait3A_113] : memref<10000x128xf32, #tpu.memory_space<hbm>> -> memref<10000x128xf32, #tpu.memory_space<hbm>>
      tpu.wait_indirect_dma semaphore(%arg12 : memref<!tpu.dma_semaphore, #tpu.memory_space<semaphore_mem>>) src(%dma_wait3A_114 : memref<10000x128xf32, #tpu.memory_space<hbm>>) dst(%arg7 : memref<80x128xf32, #tpu.memory_space<vmem>>)
      %dma_start3A_115 = arith.constant 0 : i32
      %dma_start3A_116 = tpu.memref_slice %arg6[%select_n3A_97, %dma_start3A_115] : memref<16x80xi32, #tpu.memory_space<vmem>> -> memref<1x80xi32, #tpu.memory_space<vmem>>
      %dma_start3A_117 = tpu.memref_squeeze %dma_start3A_116 : memref<1x80xi32, #tpu.memory_space<vmem>> -> memref<80xi32, #tpu.memory_space<vmem>>
      %dma_start3A_118 = arith.constant 0 : i32
      %dma_start3A_119 = arith.constant 0 : i32
      %dma_start3A_120 = tpu.memref_slice %arg11[%dma_start3A_118, %dma_start3A_119] : memref<10240x128xf32, #tpu.memory_space<vmem_shared>> -> memref<10240x128xf32, #tpu.memory_space<vmem_shared>>
      tpu.enqueue_indirect_dma source(%arg7 : memref<80x128xf32, #tpu.memory_space<vmem>>) target(%dma_start3A_120 : memref<10240x128xf32, #tpu.memory_space<vmem_shared>>) offsets(%dma_start3A_117 : memref<80xi32, #tpu.memory_space<vmem>>) semaphore(%arg13 : memref<!tpu.dma_semaphore, #tpu.memory_space<semaphore_mem>>) {add = true}
      %add3A_121 = arith.constant 1 : i32
      %add3A_122 = arith.addi %mul3A_85, %add3A_121 : i32
      %jit3A_123 = arith.constant 16 : i32
      %eq3A_124 = arith.constant 0 : i32
      %eq3A_125 = arith.cmpi eq, %jit3A_123, %eq3A_124 : i32
      %jit3A_126 = arith.constant 1 : i32
      %select_n3A_127 = arith.select %eq3A_125, %jit3A_126, %jit3A_123 : i32
      %rem3A_128 = arith.remsi %add3A_122, %select_n3A_127 : i32
      %ne3A_129 = arith.constant 0 : i32
      %ne3A_130 = arith.cmpi ne, %rem3A_128, %ne3A_129 : i32
      %lt3A_131 = arith.constant 0 : i32
      %lt3A_132 = arith.cmpi slt, %rem3A_128, %lt3A_131 : i32
      %lt3A_133 = arith.constant 0 : i32
      %lt3A_134 = arith.cmpi slt, %select_n3A_127, %lt3A_133 : i32
      %ne3A_135 = arith.xori %lt3A_132, %lt3A_134 : i1
      %and3A_136 = arith.andi %ne3A_135, %ne3A_130 : i1
      %add3A_137 = arith.addi %rem3A_128, %select_n3A_127 : i32
      %select_n3A_138 = arith.select %and3A_136, %add3A_137, %rem3A_128 : i32
      %ge3A_139 = arith.constant 2 : i32
      %ge3A_140 = arith.cmpi sge, %add3A_122, %ge3A_139 : i32
      %convert_element_type3A_141 = arith.extui %ge3A_140 : i1 to i32
      %cond3A_142 = arith.constant 0 : i32
      %cond3A_143 = arith.cmpi ne, %convert_element_type3A_141, %cond3A_142 : i32
      scf.if %cond3A_143 {
        %dma_wait3A_429 = arith.constant 0 : i32
        %dma_wait3A_430 = tpu.memref_slice %arg6[%select_n3A_138, %dma_wait3A_429] : memref<16x80xi32, #tpu.memory_space<vmem>> -> memref<1x80xi32, #tpu.memory_space<vmem>>
        %dma_wait3A_431 = tpu.memref_squeeze %dma_wait3A_430 : memref<1x80xi32, #tpu.memory_space<vmem>> -> memref<80xi32, #tpu.memory_space<vmem>>
        %dma_wait3A_432 = arith.constant 0 : i32
        %dma_wait3A_433 = arith.constant 0 : i32
        %dma_wait3A_434 = tpu.memref_slice %arg11[%dma_wait3A_432, %dma_wait3A_433] : memref<10240x128xf32, #tpu.memory_space<vmem_shared>> -> memref<10240x128xf32, #tpu.memory_space<vmem_shared>>
        tpu.wait_indirect_dma semaphore(%arg13 : memref<!tpu.dma_semaphore, #tpu.memory_space<semaphore_mem>>) src(%arg10 : memref<80x128xf32, #tpu.memory_space<vmem>>) dst(%dma_wait3A_434 : memref<10240x128xf32, #tpu.memory_space<vmem_shared>>)
      } else {
      }
      %add3A_144 = arith.constant 1 : i32
      %add3A_145 = arith.addi %scan3A_83, %add3A_144 : i32
      %lt3A_146 = arith.constant 16 : i32
      %lt3A_147 = arith.cmpi slt, %add3A_145, %lt3A_146 : i32
      %convert_element_type3A_148 = arith.extui %lt3A_147 : i1 to i32
      %cond3A_149 = arith.constant 0 : i32
      %cond3A_150 = arith.cmpi ne, %convert_element_type3A_148, %cond3A_149 : i32
      scf.if %cond3A_150 {
        %add3A_429 = arith.constant 1 : i32
        %add3A_430 = arith.addi %scan3A_83, %add3A_429 : i32
        %mul3A_431 = arith.constant 8 : i32
        %mul3A_432 = arith.muli %add3A_430, %mul3A_431 : i32
        %add3A_433 = arith.addi %mul3A_2, %mul3A_432 : i32
        %add3A_434 = arith.constant 1 : i32
        %add3A_435 = arith.addi %scan3A_83, %add3A_434 : i32
        %jit3A_436 = arith.constant 2 : i32
        %eq3A_437 = arith.constant 0 : i32
        %eq3A_438 = arith.cmpi eq, %jit3A_436, %eq3A_437 : i32
        %jit3A_439 = arith.constant 1 : i32
        %select_n3A_440 = arith.select %eq3A_438, %jit3A_439, %jit3A_436 : i32
        %rem3A_441 = arith.remsi %add3A_435, %select_n3A_440 : i32
        %ne3A_442 = arith.constant 0 : i32
        %ne3A_443 = arith.cmpi ne, %rem3A_441, %ne3A_442 : i32
        %lt3A_444 = arith.constant 0 : i32
        %lt3A_445 = arith.cmpi slt, %rem3A_441, %lt3A_444 : i32
        %lt3A_446 = arith.constant 0 : i32
        %lt3A_447 = arith.cmpi slt, %select_n3A_440, %lt3A_446 : i32
        %ne3A_448 = arith.xori %lt3A_445, %lt3A_447 : i1
        %and3A_449 = arith.andi %ne3A_448, %ne3A_443 : i1
        %add3A_450 = arith.addi %rem3A_441, %select_n3A_440 : i32
        %select_n3A_451 = arith.select %and3A_449, %add3A_450, %rem3A_441 : i32
        %mul3A_452 = arith.constant 8 : i32
        %mul3A_453 = arith.muli %select_n3A_451, %mul3A_452 : i32
        %dma_start3A_454 = arith.constant 0 : i32
        %dma_start3A_455 = tpu.memref_slice %arg5[%mul3A_453, %dma_start3A_454] : memref<16x80xi32, #tpu.memory_space<vmem>> -> memref<8x80xi32, #tpu.memory_space<vmem>>
        %dma_start3A_456 = arith.constant 0 : i32
        %dma_start3A_457 = arith.constant 0 : i32
        %dma_start3A_458 = tpu.memref_slice %arg2[%scan3A_56, %dma_start3A_456, %dma_start3A_457] : memref<2x4096x80xi32, #tpu.memory_space<hbm>> -> memref<1x4096x80xi32, #tpu.memory_space<hbm>>
        %dma_start3A_459 = tpu.memref_squeeze %dma_start3A_458 : memref<1x4096x80xi32, #tpu.memory_space<hbm>> -> memref<4096x80xi32, #tpu.memory_space<hbm>>
        %dma_start3A_460 = arith.constant 0 : i32
        %dma_start3A_461 = tpu.memref_slice %dma_start3A_459[%add3A_433, %dma_start3A_460] : memref<4096x80xi32, #tpu.memory_space<hbm>> -> memref<8x80xi32, #tpu.memory_space<hbm>>
        %dma_start3A_462 = arith.constant 0 : i32
        %dma_start3A_463 = tpu.memref_slice %arg5[%mul3A_453, %dma_start3A_462] : memref<16x80xi32, #tpu.memory_space<vmem>> -> memref<8x80xi32, #tpu.memory_space<vmem>>
        %dma_start3A_464 = arith.constant 0 : i32
        %dma_start3A_465 = arith.constant 0 : i32
        %dma_start3A_466 = tpu.memref_slice %arg2[%scan3A_56, %dma_start3A_464, %dma_start3A_465] : memref<2x4096x80xi32, #tpu.memory_space<hbm>> -> memref<1x4096x80xi32, #tpu.memory_space<hbm>>
        %dma_start3A_467 = tpu.memref_squeeze %dma_start3A_466 : memref<1x4096x80xi32, #tpu.memory_space<hbm>> -> memref<4096x80xi32, #tpu.memory_space<hbm>>
        %dma_start3A_468 = arith.constant 0 : i32
        %dma_start3A_469 = tpu.memref_slice %dma_start3A_467[%add3A_433, %dma_start3A_468] : memref<4096x80xi32, #tpu.memory_space<hbm>> -> memref<8x80xi32, #tpu.memory_space<hbm>>
        tpu.enqueue_dma source(%dma_start3A_469 : memref<8x80xi32, #tpu.memory_space<hbm>>) target(%dma_start3A_463 : memref<8x80xi32, #tpu.memory_space<vmem>>) target_semaphore(%arg14 : memref<!tpu.dma_semaphore, #tpu.memory_space<semaphore_mem>>)
        %dma_start3A_470 = arith.constant 0 : i32
        %dma_start3A_471 = tpu.memref_slice %arg6[%mul3A_453, %dma_start3A_470] : memref<16x80xi32, #tpu.memory_space<vmem>> -> memref<8x80xi32, #tpu.memory_space<vmem>>
        %dma_start3A_472 = arith.constant 0 : i32
        %dma_start3A_473 = arith.constant 0 : i32
        %dma_start3A_474 = tpu.memref_slice %arg2[%scan3A_57, %dma_start3A_472, %dma_start3A_473] : memref<2x4096x80xi32, #tpu.memory_space<hbm>> -> memref<1x4096x80xi32, #tpu.memory_space<hbm>>
        %dma_start3A_475 = tpu.memref_squeeze %dma_start3A_474 : memref<1x4096x80xi32, #tpu.memory_space<hbm>> -> memref<4096x80xi32, #tpu.memory_space<hbm>>
        %dma_start3A_476 = arith.constant 0 : i32
        %dma_start3A_477 = tpu.memref_slice %dma_start3A_475[%add3A_433, %dma_start3A_476] : memref<4096x80xi32, #tpu.memory_space<hbm>> -> memref<8x80xi32, #tpu.memory_space<hbm>>
        %dma_start3A_478 = arith.constant 0 : i32
        %dma_start3A_479 = tpu.memref_slice %arg6[%mul3A_453, %dma_start3A_478] : memref<16x80xi32, #tpu.memory_space<vmem>> -> memref<8x80xi32, #tpu.memory_space<vmem>>
        %dma_start3A_480 = arith.constant 0 : i32
        %dma_start3A_481 = arith.constant 0 : i32
        %dma_start3A_482 = tpu.memref_slice %arg2[%scan3A_57, %dma_start3A_480, %dma_start3A_481] : memref<2x4096x80xi32, #tpu.memory_space<hbm>> -> memref<1x4096x80xi32, #tpu.memory_space<hbm>>
        %dma_start3A_483 = tpu.memref_squeeze %dma_start3A_482 : memref<1x4096x80xi32, #tpu.memory_space<hbm>> -> memref<4096x80xi32, #tpu.memory_space<hbm>>
        %dma_start3A_484 = arith.constant 0 : i32
        %dma_start3A_485 = tpu.memref_slice %dma_start3A_483[%add3A_433, %dma_start3A_484] : memref<4096x80xi32, #tpu.memory_space<hbm>> -> memref<8x80xi32, #tpu.memory_space<hbm>>
        tpu.enqueue_dma source(%dma_start3A_485 : memref<8x80xi32, #tpu.memory_space<hbm>>) target(%dma_start3A_479 : memref<8x80xi32, #tpu.memory_space<vmem>>) target_semaphore(%arg14 : memref<!tpu.dma_semaphore, #tpu.memory_space<semaphore_mem>>)
      } else {
      }
      %add3A_151 = arith.constant 2 : i32
      %add3A_152 = arith.addi %add3A_122, %add3A_151 : i32
      %lt3A_153 = arith.constant 128 : i32
      %lt3A_154 = arith.cmpi slt, %add3A_152, %lt3A_153 : i32
      %convert_element_type3A_155 = arith.extui %lt3A_154 : i1 to i32
      %cond3A_156 = arith.constant 0 : i32
      %cond3A_157 = arith.cmpi ne, %convert_element_type3A_155, %cond3A_156 : i32
      scf.if %cond3A_157 {
        %add3A_429 = arith.constant 2 : i32
        %add3A_430 = arith.addi %add3A_122, %add3A_429 : i32
        %jit3A_431 = arith.constant 16 : i32
        %eq3A_432 = arith.constant 0 : i32
        %eq3A_433 = arith.cmpi eq, %jit3A_431, %eq3A_432 : i32
        %jit3A_434 = arith.constant 1 : i32
        %select_n3A_435 = arith.select %eq3A_433, %jit3A_434, %jit3A_431 : i32
        %rem3A_436 = arith.remsi %add3A_430, %select_n3A_435 : i32
        %ne3A_437 = arith.constant 0 : i32
        %ne3A_438 = arith.cmpi ne, %rem3A_436, %ne3A_437 : i32
        %lt3A_439 = arith.constant 0 : i32
        %lt3A_440 = arith.cmpi slt, %rem3A_436, %lt3A_439 : i32
        %lt3A_441 = arith.constant 0 : i32
        %lt3A_442 = arith.cmpi slt, %select_n3A_435, %lt3A_441 : i32
        %ne3A_443 = arith.xori %lt3A_440, %lt3A_442 : i1
        %and3A_444 = arith.andi %ne3A_443, %ne3A_438 : i1
        %add3A_445 = arith.addi %rem3A_436, %select_n3A_435 : i32
        %select_n3A_446 = arith.select %and3A_444, %add3A_445, %rem3A_436 : i32
        %dma_start3A_447 = arith.constant 0 : i32
        %dma_start3A_448 = tpu.memref_slice %arg5[%select_n3A_446, %dma_start3A_447] : memref<16x80xi32, #tpu.memory_space<vmem>> -> memref<1x80xi32, #tpu.memory_space<vmem>>
        %dma_start3A_449 = tpu.memref_squeeze %dma_start3A_448 : memref<1x80xi32, #tpu.memory_space<vmem>> -> memref<80xi32, #tpu.memory_space<vmem>>
        %dma_start3A_450 = arith.constant 0 : i32
        %dma_start3A_451 = arith.constant 0 : i32
        %dma_start3A_452 = tpu.memref_slice %arg3[%dma_start3A_450, %dma_start3A_451] : memref<10000x128xf32, #tpu.memory_space<hbm>> -> memref<10000x128xf32, #tpu.memory_space<hbm>>
        tpu.enqueue_indirect_dma source(%dma_start3A_452 : memref<10000x128xf32, #tpu.memory_space<hbm>>) target(%arg10 : memref<80x128xf32, #tpu.memory_space<vmem>>) offsets(%dma_start3A_449 : memref<80xi32, #tpu.memory_space<vmem>>) semaphore(%arg12 : memref<!tpu.dma_semaphore, #tpu.memory_space<semaphore_mem>>)
      } else {
      }
      %dma_wait3A_158 = arith.constant 0 : i32
      %dma_wait3A_159 = tpu.memref_slice %arg5[%select_n3A_138, %dma_wait3A_158] : memref<16x80xi32, #tpu.memory_space<vmem>> -> memref<1x80xi32, #tpu.memory_space<vmem>>
      %dma_wait3A_160 = tpu.memref_squeeze %dma_wait3A_159 : memref<1x80xi32, #tpu.memory_space<vmem>> -> memref<80xi32, #tpu.memory_space<vmem>>
      %dma_wait3A_161 = arith.constant 0 : i32
      %dma_wait3A_162 = arith.constant 0 : i32
      %dma_wait3A_163 = tpu.memref_slice %arg3[%dma_wait3A_161, %dma_wait3A_162] : memref<10000x128xf32, #tpu.memory_space<hbm>> -> memref<10000x128xf32, #tpu.memory_space<hbm>>
      tpu.wait_indirect_dma semaphore(%arg12 : memref<!tpu.dma_semaphore, #tpu.memory_space<semaphore_mem>>) src(%dma_wait3A_163 : memref<10000x128xf32, #tpu.memory_space<hbm>>) dst(%arg8 : memref<80x128xf32, #tpu.memory_space<vmem>>)
      %dma_start3A_164 = arith.constant 0 : i32
      %dma_start3A_165 = tpu.memref_slice %arg6[%select_n3A_138, %dma_start3A_164] : memref<16x80xi32, #tpu.memory_space<vmem>> -> memref<1x80xi32, #tpu.memory_space<vmem>>
      %dma_start3A_166 = tpu.memref_squeeze %dma_start3A_165 : memref<1x80xi32, #tpu.memory_space<vmem>> -> memref<80xi32, #tpu.memory_space<vmem>>
      %dma_start3A_167 = arith.constant 0 : i32
      %dma_start3A_168 = arith.constant 0 : i32
      %dma_start3A_169 = tpu.memref_slice %arg11[%dma_start3A_167, %dma_start3A_168] : memref<10240x128xf32, #tpu.memory_space<vmem_shared>> -> memref<10240x128xf32, #tpu.memory_space<vmem_shared>>
      tpu.enqueue_indirect_dma source(%arg8 : memref<80x128xf32, #tpu.memory_space<vmem>>) target(%dma_start3A_169 : memref<10240x128xf32, #tpu.memory_space<vmem_shared>>) offsets(%dma_start3A_166 : memref<80xi32, #tpu.memory_space<vmem>>) semaphore(%arg13 : memref<!tpu.dma_semaphore, #tpu.memory_space<semaphore_mem>>) {add = true}
      %add3A_170 = arith.constant 2 : i32
      %add3A_171 = arith.addi %mul3A_85, %add3A_170 : i32
      %jit3A_172 = arith.constant 16 : i32
      %eq3A_173 = arith.constant 0 : i32
      %eq3A_174 = arith.cmpi eq, %jit3A_172, %eq3A_173 : i32
      %jit3A_175 = arith.constant 1 : i32
      %select_n3A_176 = arith.select %eq3A_174, %jit3A_175, %jit3A_172 : i32
      %rem3A_177 = arith.remsi %add3A_171, %select_n3A_176 : i32
      %ne3A_178 = arith.constant 0 : i32
      %ne3A_179 = arith.cmpi ne, %rem3A_177, %ne3A_178 : i32
      %lt3A_180 = arith.constant 0 : i32
      %lt3A_181 = arith.cmpi slt, %rem3A_177, %lt3A_180 : i32
      %lt3A_182 = arith.constant 0 : i32
      %lt3A_183 = arith.cmpi slt, %select_n3A_176, %lt3A_182 : i32
      %ne3A_184 = arith.xori %lt3A_181, %lt3A_183 : i1
      %and3A_185 = arith.andi %ne3A_184, %ne3A_179 : i1
      %add3A_186 = arith.addi %rem3A_177, %select_n3A_176 : i32
      %select_n3A_187 = arith.select %and3A_185, %add3A_186, %rem3A_177 : i32
      %ge3A_188 = arith.constant 2 : i32
      %ge3A_189 = arith.cmpi sge, %add3A_171, %ge3A_188 : i32
      %convert_element_type3A_190 = arith.extui %ge3A_189 : i1 to i32
      %cond3A_191 = arith.constant 0 : i32
      %cond3A_192 = arith.cmpi ne, %convert_element_type3A_190, %cond3A_191 : i32
      scf.if %cond3A_192 {
        %dma_wait3A_429 = arith.constant 0 : i32
        %dma_wait3A_430 = tpu.memref_slice %arg6[%select_n3A_187, %dma_wait3A_429] : memref<16x80xi32, #tpu.memory_space<vmem>> -> memref<1x80xi32, #tpu.memory_space<vmem>>
        %dma_wait3A_431 = tpu.memref_squeeze %dma_wait3A_430 : memref<1x80xi32, #tpu.memory_space<vmem>> -> memref<80xi32, #tpu.memory_space<vmem>>
        %dma_wait3A_432 = arith.constant 0 : i32
        %dma_wait3A_433 = arith.constant 0 : i32
        %dma_wait3A_434 = tpu.memref_slice %arg11[%dma_wait3A_432, %dma_wait3A_433] : memref<10240x128xf32, #tpu.memory_space<vmem_shared>> -> memref<10240x128xf32, #tpu.memory_space<vmem_shared>>
        tpu.wait_indirect_dma semaphore(%arg13 : memref<!tpu.dma_semaphore, #tpu.memory_space<semaphore_mem>>) src(%arg7 : memref<80x128xf32, #tpu.memory_space<vmem>>) dst(%dma_wait3A_434 : memref<10240x128xf32, #tpu.memory_space<vmem_shared>>)
      } else {
      }
      %add3A_193 = arith.constant 2 : i32
      %add3A_194 = arith.addi %add3A_171, %add3A_193 : i32
      %lt3A_195 = arith.constant 128 : i32
      %lt3A_196 = arith.cmpi slt, %add3A_194, %lt3A_195 : i32
      %convert_element_type3A_197 = arith.extui %lt3A_196 : i1 to i32
      %cond3A_198 = arith.constant 0 : i32
      %cond3A_199 = arith.cmpi ne, %convert_element_type3A_197, %cond3A_198 : i32
      scf.if %cond3A_199 {
        %add3A_429 = arith.constant 2 : i32
        %add3A_430 = arith.addi %add3A_171, %add3A_429 : i32
        %jit3A_431 = arith.constant 16 : i32
        %eq3A_432 = arith.constant 0 : i32
        %eq3A_433 = arith.cmpi eq, %jit3A_431, %eq3A_432 : i32
        %jit3A_434 = arith.constant 1 : i32
        %select_n3A_435 = arith.select %eq3A_433, %jit3A_434, %jit3A_431 : i32
        %rem3A_436 = arith.remsi %add3A_430, %select_n3A_435 : i32
        %ne3A_437 = arith.constant 0 : i32
        %ne3A_438 = arith.cmpi ne, %rem3A_436, %ne3A_437 : i32
        %lt3A_439 = arith.constant 0 : i32
        %lt3A_440 = arith.cmpi slt, %rem3A_436, %lt3A_439 : i32
        %lt3A_441 = arith.constant 0 : i32
        %lt3A_442 = arith.cmpi slt, %select_n3A_435, %lt3A_441 : i32
        %ne3A_443 = arith.xori %lt3A_440, %lt3A_442 : i1
        %and3A_444 = arith.andi %ne3A_443, %ne3A_438 : i1
        %add3A_445 = arith.addi %rem3A_436, %select_n3A_435 : i32
        %select_n3A_446 = arith.select %and3A_444, %add3A_445, %rem3A_436 : i32
        %dma_start3A_447 = arith.constant 0 : i32
        %dma_start3A_448 = tpu.memref_slice %arg5[%select_n3A_446, %dma_start3A_447] : memref<16x80xi32, #tpu.memory_space<vmem>> -> memref<1x80xi32, #tpu.memory_space<vmem>>
        %dma_start3A_449 = tpu.memref_squeeze %dma_start3A_448 : memref<1x80xi32, #tpu.memory_space<vmem>> -> memref<80xi32, #tpu.memory_space<vmem>>
        %dma_start3A_450 = arith.constant 0 : i32
        %dma_start3A_451 = arith.constant 0 : i32
        %dma_start3A_452 = tpu.memref_slice %arg3[%dma_start3A_450, %dma_start3A_451] : memref<10000x128xf32, #tpu.memory_space<hbm>> -> memref<10000x128xf32, #tpu.memory_space<hbm>>
        tpu.enqueue_indirect_dma source(%dma_start3A_452 : memref<10000x128xf32, #tpu.memory_space<hbm>>) target(%arg7 : memref<80x128xf32, #tpu.memory_space<vmem>>) offsets(%dma_start3A_449 : memref<80xi32, #tpu.memory_space<vmem>>) semaphore(%arg12 : memref<!tpu.dma_semaphore, #tpu.memory_space<semaphore_mem>>)
      } else {
      }
      %dma_wait3A_200 = arith.constant 0 : i32
      %dma_wait3A_201 = tpu.memref_slice %arg5[%select_n3A_187, %dma_wait3A_200] : memref<16x80xi32, #tpu.memory_space<vmem>> -> memref<1x80xi32, #tpu.memory_space<vmem>>
      %dma_wait3A_202 = tpu.memref_squeeze %dma_wait3A_201 : memref<1x80xi32, #tpu.memory_space<vmem>> -> memref<80xi32, #tpu.memory_space<vmem>>
      %dma_wait3A_203 = arith.constant 0 : i32
      %dma_wait3A_204 = arith.constant 0 : i32
      %dma_wait3A_205 = tpu.memref_slice %arg3[%dma_wait3A_203, %dma_wait3A_204] : memref<10000x128xf32, #tpu.memory_space<hbm>> -> memref<10000x128xf32, #tpu.memory_space<hbm>>
      tpu.wait_indirect_dma semaphore(%arg12 : memref<!tpu.dma_semaphore, #tpu.memory_space<semaphore_mem>>) src(%dma_wait3A_205 : memref<10000x128xf32, #tpu.memory_space<hbm>>) dst(%arg9 : memref<80x128xf32, #tpu.memory_space<vmem>>)
      %dma_start3A_206 = arith.constant 0 : i32
      %dma_start3A_207 = tpu.memref_slice %arg6[%select_n3A_187, %dma_start3A_206] : memref<16x80xi32, #tpu.memory_space<vmem>> -> memref<1x80xi32, #tpu.memory_space<vmem>>
      %dma_start3A_208 = tpu.memref_squeeze %dma_start3A_207 : memref<1x80xi32, #tpu.memory_space<vmem>> -> memref<80xi32, #tpu.memory_space<vmem>>
      %dma_start3A_209 = arith.constant 0 : i32
      %dma_start3A_210 = arith.constant 0 : i32
      %dma_start3A_211 = tpu.memref_slice %arg11[%dma_start3A_209, %dma_start3A_210] : memref<10240x128xf32, #tpu.memory_space<vmem_shared>> -> memref<10240x128xf32, #tpu.memory_space<vmem_shared>>
      tpu.enqueue_indirect_dma source(%arg9 : memref<80x128xf32, #tpu.memory_space<vmem>>) target(%dma_start3A_211 : memref<10240x128xf32, #tpu.memory_space<vmem_shared>>) offsets(%dma_start3A_208 : memref<80xi32, #tpu.memory_space<vmem>>) semaphore(%arg13 : memref<!tpu.dma_semaphore, #tpu.memory_space<semaphore_mem>>) {add = true}
      %add3A_212 = arith.constant 3 : i32
      %add3A_213 = arith.addi %mul3A_85, %add3A_212 : i32
      %jit3A_214 = arith.constant 16 : i32
      %eq3A_215 = arith.constant 0 : i32
      %eq3A_216 = arith.cmpi eq, %jit3A_214, %eq3A_215 : i32
      %jit3A_217 = arith.constant 1 : i32
      %select_n3A_218 = arith.select %eq3A_216, %jit3A_217, %jit3A_214 : i32
      %rem3A_219 = arith.remsi %add3A_213, %select_n3A_218 : i32
      %ne3A_220 = arith.constant 0 : i32
      %ne3A_221 = arith.cmpi ne, %rem3A_219, %ne3A_220 : i32
      %lt3A_222 = arith.constant 0 : i32
      %lt3A_223 = arith.cmpi slt, %rem3A_219, %lt3A_222 : i32
      %lt3A_224 = arith.constant 0 : i32
      %lt3A_225 = arith.cmpi slt, %select_n3A_218, %lt3A_224 : i32
      %ne3A_226 = arith.xori %lt3A_223, %lt3A_225 : i1
      %and3A_227 = arith.andi %ne3A_226, %ne3A_221 : i1
      %add3A_228 = arith.addi %rem3A_219, %select_n3A_218 : i32
      %select_n3A_229 = arith.select %and3A_227, %add3A_228, %rem3A_219 : i32
      %ge3A_230 = arith.constant 2 : i32
      %ge3A_231 = arith.cmpi sge, %add3A_213, %ge3A_230 : i32
      %convert_element_type3A_232 = arith.extui %ge3A_231 : i1 to i32
      %cond3A_233 = arith.constant 0 : i32
      %cond3A_234 = arith.cmpi ne, %convert_element_type3A_232, %cond3A_233 : i32
      scf.if %cond3A_234 {
        %dma_wait3A_429 = arith.constant 0 : i32
        %dma_wait3A_430 = tpu.memref_slice %arg6[%select_n3A_229, %dma_wait3A_429] : memref<16x80xi32, #tpu.memory_space<vmem>> -> memref<1x80xi32, #tpu.memory_space<vmem>>
        %dma_wait3A_431 = tpu.memref_squeeze %dma_wait3A_430 : memref<1x80xi32, #tpu.memory_space<vmem>> -> memref<80xi32, #tpu.memory_space<vmem>>
        %dma_wait3A_432 = arith.constant 0 : i32
        %dma_wait3A_433 = arith.constant 0 : i32
        %dma_wait3A_434 = tpu.memref_slice %arg11[%dma_wait3A_432, %dma_wait3A_433] : memref<10240x128xf32, #tpu.memory_space<vmem_shared>> -> memref<10240x128xf32, #tpu.memory_space<vmem_shared>>
        tpu.wait_indirect_dma semaphore(%arg13 : memref<!tpu.dma_semaphore, #tpu.memory_space<semaphore_mem>>) src(%arg8 : memref<80x128xf32, #tpu.memory_space<vmem>>) dst(%dma_wait3A_434 : memref<10240x128xf32, #tpu.memory_space<vmem_shared>>)
      } else {
      }
      %add3A_235 = arith.constant 2 : i32
      %add3A_236 = arith.addi %add3A_213, %add3A_235 : i32
      %lt3A_237 = arith.constant 128 : i32
      %lt3A_238 = arith.cmpi slt, %add3A_236, %lt3A_237 : i32
      %convert_element_type3A_239 = arith.extui %lt3A_238 : i1 to i32
      %cond3A_240 = arith.constant 0 : i32
      %cond3A_241 = arith.cmpi ne, %convert_element_type3A_239, %cond3A_240 : i32
      scf.if %cond3A_241 {
        %add3A_429 = arith.constant 2 : i32
        %add3A_430 = arith.addi %add3A_213, %add3A_429 : i32
        %jit3A_431 = arith.constant 16 : i32
        %eq3A_432 = arith.constant 0 : i32
        %eq3A_433 = arith.cmpi eq, %jit3A_431, %eq3A_432 : i32
        %jit3A_434 = arith.constant 1 : i32
        %select_n3A_435 = arith.select %eq3A_433, %jit3A_434, %jit3A_431 : i32
        %rem3A_436 = arith.remsi %add3A_430, %select_n3A_435 : i32
        %ne3A_437 = arith.constant 0 : i32
        %ne3A_438 = arith.cmpi ne, %rem3A_436, %ne3A_437 : i32
        %lt3A_439 = arith.constant 0 : i32
        %lt3A_440 = arith.cmpi slt, %rem3A_436, %lt3A_439 : i32
        %lt3A_441 = arith.constant 0 : i32
        %lt3A_442 = arith.cmpi slt, %select_n3A_435, %lt3A_441 : i32
        %ne3A_443 = arith.xori %lt3A_440, %lt3A_442 : i1
        %and3A_444 = arith.andi %ne3A_443, %ne3A_438 : i1
        %add3A_445 = arith.addi %rem3A_436, %select_n3A_435 : i32
        %select_n3A_446 = arith.select %and3A_444, %add3A_445, %rem3A_436 : i32
        %dma_start3A_447 = arith.constant 0 : i32
        %dma_start3A_448 = tpu.memref_slice %arg5[%select_n3A_446, %dma_start3A_447] : memref<16x80xi32, #tpu.memory_space<vmem>> -> memref<1x80xi32, #tpu.memory_space<vmem>>
        %dma_start3A_449 = tpu.memref_squeeze %dma_start3A_448 : memref<1x80xi32, #tpu.memory_space<vmem>> -> memref<80xi32, #tpu.memory_space<vmem>>
        %dma_start3A_450 = arith.constant 0 : i32
        %dma_start3A_451 = arith.constant 0 : i32
        %dma_start3A_452 = tpu.memref_slice %arg3[%dma_start3A_450, %dma_start3A_451] : memref<10000x128xf32, #tpu.memory_space<hbm>> -> memref<10000x128xf32, #tpu.memory_space<hbm>>
        tpu.enqueue_indirect_dma source(%dma_start3A_452 : memref<10000x128xf32, #tpu.memory_space<hbm>>) target(%arg8 : memref<80x128xf32, #tpu.memory_space<vmem>>) offsets(%dma_start3A_449 : memref<80xi32, #tpu.memory_space<vmem>>) semaphore(%arg12 : memref<!tpu.dma_semaphore, #tpu.memory_space<semaphore_mem>>)
      } else {
      }
      %dma_wait3A_242 = arith.constant 0 : i32
      %dma_wait3A_243 = tpu.memref_slice %arg5[%select_n3A_229, %dma_wait3A_242] : memref<16x80xi32, #tpu.memory_space<vmem>> -> memref<1x80xi32, #tpu.memory_space<vmem>>
      %dma_wait3A_244 = tpu.memref_squeeze %dma_wait3A_243 : memref<1x80xi32, #tpu.memory_space<vmem>> -> memref<80xi32, #tpu.memory_space<vmem>>
      %dma_wait3A_245 = arith.constant 0 : i32
      %dma_wait3A_246 = arith.constant 0 : i32
      %dma_wait3A_247 = tpu.memref_slice %arg3[%dma_wait3A_245, %dma_wait3A_246] : memref<10000x128xf32, #tpu.memory_space<hbm>> -> memref<10000x128xf32, #tpu.memory_space<hbm>>
      tpu.wait_indirect_dma semaphore(%arg12 : memref<!tpu.dma_semaphore, #tpu.memory_space<semaphore_mem>>) src(%dma_wait3A_247 : memref<10000x128xf32, #tpu.memory_space<hbm>>) dst(%arg10 : memref<80x128xf32, #tpu.memory_space<vmem>>)
      %dma_start3A_248 = arith.constant 0 : i32
      %dma_start3A_249 = tpu.memref_slice %arg6[%select_n3A_229, %dma_start3A_248] : memref<16x80xi32, #tpu.memory_space<vmem>> -> memref<1x80xi32, #tpu.memory_space<vmem>>
      %dma_start3A_250 = tpu.memref_squeeze %dma_start3A_249 : memref<1x80xi32, #tpu.memory_space<vmem>> -> memref<80xi32, #tpu.memory_space<vmem>>
      %dma_start3A_251 = arith.constant 0 : i32
      %dma_start3A_252 = arith.constant 0 : i32
      %dma_start3A_253 = tpu.memref_slice %arg11[%dma_start3A_251, %dma_start3A_252] : memref<10240x128xf32, #tpu.memory_space<vmem_shared>> -> memref<10240x128xf32, #tpu.memory_space<vmem_shared>>
      tpu.enqueue_indirect_dma source(%arg10 : memref<80x128xf32, #tpu.memory_space<vmem>>) target(%dma_start3A_253 : memref<10240x128xf32, #tpu.memory_space<vmem_shared>>) offsets(%dma_start3A_250 : memref<80xi32, #tpu.memory_space<vmem>>) semaphore(%arg13 : memref<!tpu.dma_semaphore, #tpu.memory_space<semaphore_mem>>) {add = true}
      %add3A_254 = arith.constant 4 : i32
      %add3A_255 = arith.addi %mul3A_85, %add3A_254 : i32
      %jit3A_256 = arith.constant 16 : i32
      %eq3A_257 = arith.constant 0 : i32
      %eq3A_258 = arith.cmpi eq, %jit3A_256, %eq3A_257 : i32
      %jit3A_259 = arith.constant 1 : i32
      %select_n3A_260 = arith.select %eq3A_258, %jit3A_259, %jit3A_256 : i32
      %rem3A_261 = arith.remsi %add3A_255, %select_n3A_260 : i32
      %ne3A_262 = arith.constant 0 : i32
      %ne3A_263 = arith.cmpi ne, %rem3A_261, %ne3A_262 : i32
      %lt3A_264 = arith.constant 0 : i32
      %lt3A_265 = arith.cmpi slt, %rem3A_261, %lt3A_264 : i32
      %lt3A_266 = arith.constant 0 : i32
      %lt3A_267 = arith.cmpi slt, %select_n3A_260, %lt3A_266 : i32
      %ne3A_268 = arith.xori %lt3A_265, %lt3A_267 : i1
      %and3A_269 = arith.andi %ne3A_268, %ne3A_263 : i1
      %add3A_270 = arith.addi %rem3A_261, %select_n3A_260 : i32
      %select_n3A_271 = arith.select %and3A_269, %add3A_270, %rem3A_261 : i32
      %ge3A_272 = arith.constant 2 : i32
      %ge3A_273 = arith.cmpi sge, %add3A_255, %ge3A_272 : i32
      %convert_element_type3A_274 = arith.extui %ge3A_273 : i1 to i32
      %cond3A_275 = arith.constant 0 : i32
      %cond3A_276 = arith.cmpi ne, %convert_element_type3A_274, %cond3A_275 : i32
      scf.if %cond3A_276 {
        %dma_wait3A_429 = arith.constant 0 : i32
        %dma_wait3A_430 = tpu.memref_slice %arg6[%select_n3A_271, %dma_wait3A_429] : memref<16x80xi32, #tpu.memory_space<vmem>> -> memref<1x80xi32, #tpu.memory_space<vmem>>
        %dma_wait3A_431 = tpu.memref_squeeze %dma_wait3A_430 : memref<1x80xi32, #tpu.memory_space<vmem>> -> memref<80xi32, #tpu.memory_space<vmem>>
        %dma_wait3A_432 = arith.constant 0 : i32
        %dma_wait3A_433 = arith.constant 0 : i32
        %dma_wait3A_434 = tpu.memref_slice %arg11[%dma_wait3A_432, %dma_wait3A_433] : memref<10240x128xf32, #tpu.memory_space<vmem_shared>> -> memref<10240x128xf32, #tpu.memory_space<vmem_shared>>
        tpu.wait_indirect_dma semaphore(%arg13 : memref<!tpu.dma_semaphore, #tpu.memory_space<semaphore_mem>>) src(%arg9 : memref<80x128xf32, #tpu.memory_space<vmem>>) dst(%dma_wait3A_434 : memref<10240x128xf32, #tpu.memory_space<vmem_shared>>)
      } else {
      }
      %add3A_277 = arith.constant 2 : i32
      %add3A_278 = arith.addi %add3A_255, %add3A_277 : i32
      %lt3A_279 = arith.constant 128 : i32
      %lt3A_280 = arith.cmpi slt, %add3A_278, %lt3A_279 : i32
      %convert_element_type3A_281 = arith.extui %lt3A_280 : i1 to i32
      %cond3A_282 = arith.constant 0 : i32
      %cond3A_283 = arith.cmpi ne, %convert_element_type3A_281, %cond3A_282 : i32
      scf.if %cond3A_283 {
        %add3A_429 = arith.constant 2 : i32
        %add3A_430 = arith.addi %add3A_255, %add3A_429 : i32
        %jit3A_431 = arith.constant 16 : i32
        %eq3A_432 = arith.constant 0 : i32
        %eq3A_433 = arith.cmpi eq, %jit3A_431, %eq3A_432 : i32
        %jit3A_434 = arith.constant 1 : i32
        %select_n3A_435 = arith.select %eq3A_433, %jit3A_434, %jit3A_431 : i32
        %rem3A_436 = arith.remsi %add3A_430, %select_n3A_435 : i32
        %ne3A_437 = arith.constant 0 : i32
        %ne3A_438 = arith.cmpi ne, %rem3A_436, %ne3A_437 : i32
        %lt3A_439 = arith.constant 0 : i32
        %lt3A_440 = arith.cmpi slt, %rem3A_436, %lt3A_439 : i32
        %lt3A_441 = arith.constant 0 : i32
        %lt3A_442 = arith.cmpi slt, %select_n3A_435, %lt3A_441 : i32
        %ne3A_443 = arith.xori %lt3A_440, %lt3A_442 : i1
        %and3A_444 = arith.andi %ne3A_443, %ne3A_438 : i1
        %add3A_445 = arith.addi %rem3A_436, %select_n3A_435 : i32
        %select_n3A_446 = arith.select %and3A_444, %add3A_445, %rem3A_436 : i32
        %dma_start3A_447 = arith.constant 0 : i32
        %dma_start3A_448 = tpu.memref_slice %arg5[%select_n3A_446, %dma_start3A_447] : memref<16x80xi32, #tpu.memory_space<vmem>> -> memref<1x80xi32, #tpu.memory_space<vmem>>
        %dma_start3A_449 = tpu.memref_squeeze %dma_start3A_448 : memref<1x80xi32, #tpu.memory_space<vmem>> -> memref<80xi32, #tpu.memory_space<vmem>>
        %dma_start3A_450 = arith.constant 0 : i32
        %dma_start3A_451 = arith.constant 0 : i32
        %dma_start3A_452 = tpu.memref_slice %arg3[%dma_start3A_450, %dma_start3A_451] : memref<10000x128xf32, #tpu.memory_space<hbm>> -> memref<10000x128xf32, #tpu.memory_space<hbm>>
        tpu.enqueue_indirect_dma source(%dma_start3A_452 : memref<10000x128xf32, #tpu.memory_space<hbm>>) target(%arg9 : memref<80x128xf32, #tpu.memory_space<vmem>>) offsets(%dma_start3A_449 : memref<80xi32, #tpu.memory_space<vmem>>) semaphore(%arg12 : memref<!tpu.dma_semaphore, #tpu.memory_space<semaphore_mem>>)
      } else {
      }
      %dma_wait3A_284 = arith.constant 0 : i32
      %dma_wait3A_285 = tpu.memref_slice %arg5[%select_n3A_271, %dma_wait3A_284] : memref<16x80xi32, #tpu.memory_space<vmem>> -> memref<1x80xi32, #tpu.memory_space<vmem>>
      %dma_wait3A_286 = tpu.memref_squeeze %dma_wait3A_285 : memref<1x80xi32, #tpu.memory_space<vmem>> -> memref<80xi32, #tpu.memory_space<vmem>>
      %dma_wait3A_287 = arith.constant 0 : i32
      %dma_wait3A_288 = arith.constant 0 : i32
      %dma_wait3A_289 = tpu.memref_slice %arg3[%dma_wait3A_287, %dma_wait3A_288] : memref<10000x128xf32, #tpu.memory_space<hbm>> -> memref<10000x128xf32, #tpu.memory_space<hbm>>
      tpu.wait_indirect_dma semaphore(%arg12 : memref<!tpu.dma_semaphore, #tpu.memory_space<semaphore_mem>>) src(%dma_wait3A_289 : memref<10000x128xf32, #tpu.memory_space<hbm>>) dst(%arg7 : memref<80x128xf32, #tpu.memory_space<vmem>>)
      %dma_start3A_290 = arith.constant 0 : i32
      %dma_start3A_291 = tpu.memref_slice %arg6[%select_n3A_271, %dma_start3A_290] : memref<16x80xi32, #tpu.memory_space<vmem>> -> memref<1x80xi32, #tpu.memory_space<vmem>>
      %dma_start3A_292 = tpu.memref_squeeze %dma_start3A_291 : memref<1x80xi32, #tpu.memory_space<vmem>> -> memref<80xi32, #tpu.memory_space<vmem>>
      %dma_start3A_293 = arith.constant 0 : i32
      %dma_start3A_294 = arith.constant 0 : i32
      %dma_start3A_295 = tpu.memref_slice %arg11[%dma_start3A_293, %dma_start3A_294] : memref<10240x128xf32, #tpu.memory_space<vmem_shared>> -> memref<10240x128xf32, #tpu.memory_space<vmem_shared>>
      tpu.enqueue_indirect_dma source(%arg7 : memref<80x128xf32, #tpu.memory_space<vmem>>) target(%dma_start3A_295 : memref<10240x128xf32, #tpu.memory_space<vmem_shared>>) offsets(%dma_start3A_292 : memref<80xi32, #tpu.memory_space<vmem>>) semaphore(%arg13 : memref<!tpu.dma_semaphore, #tpu.memory_space<semaphore_mem>>) {add = true}
      %add3A_296 = arith.constant 5 : i32
      %add3A_297 = arith.addi %mul3A_85, %add3A_296 : i32
      %jit3A_298 = arith.constant 16 : i32
      %eq3A_299 = arith.constant 0 : i32
      %eq3A_300 = arith.cmpi eq, %jit3A_298, %eq3A_299 : i32
      %jit3A_301 = arith.constant 1 : i32
      %select_n3A_302 = arith.select %eq3A_300, %jit3A_301, %jit3A_298 : i32
      %rem3A_303 = arith.remsi %add3A_297, %select_n3A_302 : i32
      %ne3A_304 = arith.constant 0 : i32
      %ne3A_305 = arith.cmpi ne, %rem3A_303, %ne3A_304 : i32
      %lt3A_306 = arith.constant 0 : i32
      %lt3A_307 = arith.cmpi slt, %rem3A_303, %lt3A_306 : i32
      %lt3A_308 = arith.constant 0 : i32
      %lt3A_309 = arith.cmpi slt, %select_n3A_302, %lt3A_308 : i32
      %ne3A_310 = arith.xori %lt3A_307, %lt3A_309 : i1
      %and3A_311 = arith.andi %ne3A_310, %ne3A_305 : i1
      %add3A_312 = arith.addi %rem3A_303, %select_n3A_302 : i32
      %select_n3A_313 = arith.select %and3A_311, %add3A_312, %rem3A_303 : i32
      %ge3A_314 = arith.constant 2 : i32
      %ge3A_315 = arith.cmpi sge, %add3A_297, %ge3A_314 : i32
      %convert_element_type3A_316 = arith.extui %ge3A_315 : i1 to i32
      %cond3A_317 = arith.constant 0 : i32
      %cond3A_318 = arith.cmpi ne, %convert_element_type3A_316, %cond3A_317 : i32
      scf.if %cond3A_318 {
        %dma_wait3A_429 = arith.constant 0 : i32
        %dma_wait3A_430 = tpu.memref_slice %arg6[%select_n3A_313, %dma_wait3A_429] : memref<16x80xi32, #tpu.memory_space<vmem>> -> memref<1x80xi32, #tpu.memory_space<vmem>>
        %dma_wait3A_431 = tpu.memref_squeeze %dma_wait3A_430 : memref<1x80xi32, #tpu.memory_space<vmem>> -> memref<80xi32, #tpu.memory_space<vmem>>
        %dma_wait3A_432 = arith.constant 0 : i32
        %dma_wait3A_433 = arith.constant 0 : i32
        %dma_wait3A_434 = tpu.memref_slice %arg11[%dma_wait3A_432, %dma_wait3A_433] : memref<10240x128xf32, #tpu.memory_space<vmem_shared>> -> memref<10240x128xf32, #tpu.memory_space<vmem_shared>>
        tpu.wait_indirect_dma semaphore(%arg13 : memref<!tpu.dma_semaphore, #tpu.memory_space<semaphore_mem>>) src(%arg10 : memref<80x128xf32, #tpu.memory_space<vmem>>) dst(%dma_wait3A_434 : memref<10240x128xf32, #tpu.memory_space<vmem_shared>>)
      } else {
      }
      %add3A_319 = arith.constant 2 : i32
      %add3A_320 = arith.addi %add3A_297, %add3A_319 : i32
      %lt3A_321 = arith.constant 128 : i32
      %lt3A_322 = arith.cmpi slt, %add3A_320, %lt3A_321 : i32
      %convert_element_type3A_323 = arith.extui %lt3A_322 : i1 to i32
      %cond3A_324 = arith.constant 0 : i32
      %cond3A_325 = arith.cmpi ne, %convert_element_type3A_323, %cond3A_324 : i32
      scf.if %cond3A_325 {
        %add3A_429 = arith.constant 2 : i32
        %add3A_430 = arith.addi %add3A_297, %add3A_429 : i32
        %jit3A_431 = arith.constant 16 : i32
        %eq3A_432 = arith.constant 0 : i32
        %eq3A_433 = arith.cmpi eq, %jit3A_431, %eq3A_432 : i32
        %jit3A_434 = arith.constant 1 : i32
        %select_n3A_435 = arith.select %eq3A_433, %jit3A_434, %jit3A_431 : i32
        %rem3A_436 = arith.remsi %add3A_430, %select_n3A_435 : i32
        %ne3A_437 = arith.constant 0 : i32
        %ne3A_438 = arith.cmpi ne, %rem3A_436, %ne3A_437 : i32
        %lt3A_439 = arith.constant 0 : i32
        %lt3A_440 = arith.cmpi slt, %rem3A_436, %lt3A_439 : i32
        %lt3A_441 = arith.constant 0 : i32
        %lt3A_442 = arith.cmpi slt, %select_n3A_435, %lt3A_441 : i32
        %ne3A_443 = arith.xori %lt3A_440, %lt3A_442 : i1
        %and3A_444 = arith.andi %ne3A_443, %ne3A_438 : i1
        %add3A_445 = arith.addi %rem3A_436, %select_n3A_435 : i32
        %select_n3A_446 = arith.select %and3A_444, %add3A_445, %rem3A_436 : i32
        %dma_start3A_447 = arith.constant 0 : i32
        %dma_start3A_448 = tpu.memref_slice %arg5[%select_n3A_446, %dma_start3A_447] : memref<16x80xi32, #tpu.memory_space<vmem>> -> memref<1x80xi32, #tpu.memory_space<vmem>>
        %dma_start3A_449 = tpu.memref_squeeze %dma_start3A_448 : memref<1x80xi32, #tpu.memory_space<vmem>> -> memref<80xi32, #tpu.memory_space<vmem>>
        %dma_start3A_450 = arith.constant 0 : i32
        %dma_start3A_451 = arith.constant 0 : i32
        %dma_start3A_452 = tpu.memref_slice %arg3[%dma_start3A_450, %dma_start3A_451] : memref<10000x128xf32, #tpu.memory_space<hbm>> -> memref<10000x128xf32, #tpu.memory_space<hbm>>
        tpu.enqueue_indirect_dma source(%dma_start3A_452 : memref<10000x128xf32, #tpu.memory_space<hbm>>) target(%arg10 : memref<80x128xf32, #tpu.memory_space<vmem>>) offsets(%dma_start3A_449 : memref<80xi32, #tpu.memory_space<vmem>>) semaphore(%arg12 : memref<!tpu.dma_semaphore, #tpu.memory_space<semaphore_mem>>)
      } else {
      }
      %dma_wait3A_326 = arith.constant 0 : i32
      %dma_wait3A_327 = tpu.memref_slice %arg5[%select_n3A_313, %dma_wait3A_326] : memref<16x80xi32, #tpu.memory_space<vmem>> -> memref<1x80xi32, #tpu.memory_space<vmem>>
      %dma_wait3A_328 = tpu.memref_squeeze %dma_wait3A_327 : memref<1x80xi32, #tpu.memory_space<vmem>> -> memref<80xi32, #tpu.memory_space<vmem>>
      %dma_wait3A_329 = arith.constant 0 : i32
      %dma_wait3A_330 = arith.constant 0 : i32
      %dma_wait3A_331 = tpu.memref_slice %arg3[%dma_wait3A_329, %dma_wait3A_330] : memref<10000x128xf32, #tpu.memory_space<hbm>> -> memref<10000x128xf32, #tpu.memory_space<hbm>>
      tpu.wait_indirect_dma semaphore(%arg12 : memref<!tpu.dma_semaphore, #tpu.memory_space<semaphore_mem>>) src(%dma_wait3A_331 : memref<10000x128xf32, #tpu.memory_space<hbm>>) dst(%arg8 : memref<80x128xf32, #tpu.memory_space<vmem>>)
      %dma_start3A_332 = arith.constant 0 : i32
      %dma_start3A_333 = tpu.memref_slice %arg6[%select_n3A_313, %dma_start3A_332] : memref<16x80xi32, #tpu.memory_space<vmem>> -> memref<1x80xi32, #tpu.memory_space<vmem>>
      %dma_start3A_334 = tpu.memref_squeeze %dma_start3A_333 : memref<1x80xi32, #tpu.memory_space<vmem>> -> memref<80xi32, #tpu.memory_space<vmem>>
      %dma_start3A_335 = arith.constant 0 : i32
      %dma_start3A_336 = arith.constant 0 : i32
      %dma_start3A_337 = tpu.memref_slice %arg11[%dma_start3A_335, %dma_start3A_336] : memref<10240x128xf32, #tpu.memory_space<vmem_shared>> -> memref<10240x128xf32, #tpu.memory_space<vmem_shared>>
      tpu.enqueue_indirect_dma source(%arg8 : memref<80x128xf32, #tpu.memory_space<vmem>>) target(%dma_start3A_337 : memref<10240x128xf32, #tpu.memory_space<vmem_shared>>) offsets(%dma_start3A_334 : memref<80xi32, #tpu.memory_space<vmem>>) semaphore(%arg13 : memref<!tpu.dma_semaphore, #tpu.memory_space<semaphore_mem>>) {add = true}
      %add3A_338 = arith.constant 6 : i32
      %add3A_339 = arith.addi %mul3A_85, %add3A_338 : i32
      %jit3A_340 = arith.constant 16 : i32
      %eq3A_341 = arith.constant 0 : i32
      %eq3A_342 = arith.cmpi eq, %jit3A_340, %eq3A_341 : i32
      %jit3A_343 = arith.constant 1 : i32
      %select_n3A_344 = arith.select %eq3A_342, %jit3A_343, %jit3A_340 : i32
      %rem3A_345 = arith.remsi %add3A_339, %select_n3A_344 : i32
      %ne3A_346 = arith.constant 0 : i32
      %ne3A_347 = arith.cmpi ne, %rem3A_345, %ne3A_346 : i32
      %lt3A_348 = arith.constant 0 : i32
      %lt3A_349 = arith.cmpi slt, %rem3A_345, %lt3A_348 : i32
      %lt3A_350 = arith.constant 0 : i32
      %lt3A_351 = arith.cmpi slt, %select_n3A_344, %lt3A_350 : i32
      %ne3A_352 = arith.xori %lt3A_349, %lt3A_351 : i1
      %and3A_353 = arith.andi %ne3A_352, %ne3A_347 : i1
      %add3A_354 = arith.addi %rem3A_345, %select_n3A_344 : i32
      %select_n3A_355 = arith.select %and3A_353, %add3A_354, %rem3A_345 : i32
      %ge3A_356 = arith.constant 2 : i32
      %ge3A_357 = arith.cmpi sge, %add3A_339, %ge3A_356 : i32
      %convert_element_type3A_358 = arith.extui %ge3A_357 : i1 to i32
      %cond3A_359 = arith.constant 0 : i32
      %cond3A_360 = arith.cmpi ne, %convert_element_type3A_358, %cond3A_359 : i32
      scf.if %cond3A_360 {
        %dma_wait3A_429 = arith.constant 0 : i32
        %dma_wait3A_430 = tpu.memref_slice %arg6[%select_n3A_355, %dma_wait3A_429] : memref<16x80xi32, #tpu.memory_space<vmem>> -> memref<1x80xi32, #tpu.memory_space<vmem>>
        %dma_wait3A_431 = tpu.memref_squeeze %dma_wait3A_430 : memref<1x80xi32, #tpu.memory_space<vmem>> -> memref<80xi32, #tpu.memory_space<vmem>>
        %dma_wait3A_432 = arith.constant 0 : i32
        %dma_wait3A_433 = arith.constant 0 : i32
        %dma_wait3A_434 = tpu.memref_slice %arg11[%dma_wait3A_432, %dma_wait3A_433] : memref<10240x128xf32, #tpu.memory_space<vmem_shared>> -> memref<10240x128xf32, #tpu.memory_space<vmem_shared>>
        tpu.wait_indirect_dma semaphore(%arg13 : memref<!tpu.dma_semaphore, #tpu.memory_space<semaphore_mem>>) src(%arg7 : memref<80x128xf32, #tpu.memory_space<vmem>>) dst(%dma_wait3A_434 : memref<10240x128xf32, #tpu.memory_space<vmem_shared>>)
      } else {
      }
      %add3A_361 = arith.constant 1 : i32
      %add3A_362 = arith.addi %scan3A_83, %add3A_361 : i32
      %lt3A_363 = arith.constant 16 : i32
      %lt3A_364 = arith.cmpi slt, %add3A_362, %lt3A_363 : i32
      %convert_element_type3A_365 = arith.extui %lt3A_364 : i1 to i32
      %cond3A_366 = arith.constant 0 : i32
      %cond3A_367 = arith.cmpi ne, %convert_element_type3A_365, %cond3A_366 : i32
      scf.if %cond3A_367 {
        %dma_wait3A_429 = arith.constant 0 : i32
        %dma_wait3A_430 = arith.constant 0 : i32
        %dma_wait3A_431 = tpu.memref_slice %arg5[%dma_wait3A_429, %dma_wait3A_430] : memref<16x80xi32, #tpu.memory_space<vmem>> -> memref<8x80xi32, #tpu.memory_space<vmem>>
        %dma_wait3A_432 = arith.constant 0 : i32
        %dma_wait3A_433 = arith.constant 0 : i32
        %dma_wait3A_434 = tpu.memref_slice %arg2[%scan3A_56, %dma_wait3A_432, %dma_wait3A_433] : memref<2x4096x80xi32, #tpu.memory_space<hbm>> -> memref<1x4096x80xi32, #tpu.memory_space<hbm>>
        %dma_wait3A_435 = tpu.memref_squeeze %dma_wait3A_434 : memref<1x4096x80xi32, #tpu.memory_space<hbm>> -> memref<4096x80xi32, #tpu.memory_space<hbm>>
        %dma_wait3A_436 = arith.constant 0 : i32
        %dma_wait3A_437 = tpu.memref_slice %dma_wait3A_435[%mul3A_2, %dma_wait3A_436] : memref<4096x80xi32, #tpu.memory_space<hbm>> -> memref<8x80xi32, #tpu.memory_space<hbm>>
        %dma_wait3A_438 = arith.constant 0 : i32
        %dma_wait3A_439 = arith.constant 0 : i32
        %dma_wait3A_440 = tpu.memref_slice %arg5[%dma_wait3A_438, %dma_wait3A_439] : memref<16x80xi32, #tpu.memory_space<vmem>> -> memref<8x80xi32, #tpu.memory_space<vmem>>
        %dma_wait3A_441 = arith.constant 0 : i32
        %dma_wait3A_442 = arith.constant 0 : i32
        %dma_wait3A_443 = tpu.memref_slice %arg2[%scan3A_56, %dma_wait3A_441, %dma_wait3A_442] : memref<2x4096x80xi32, #tpu.memory_space<hbm>> -> memref<1x4096x80xi32, #tpu.memory_space<hbm>>
        %dma_wait3A_444 = tpu.memref_squeeze %dma_wait3A_443 : memref<1x4096x80xi32, #tpu.memory_space<hbm>> -> memref<4096x80xi32, #tpu.memory_space<hbm>>
        %dma_wait3A_445 = arith.constant 0 : i32
        %dma_wait3A_446 = tpu.memref_slice %dma_wait3A_444[%mul3A_2, %dma_wait3A_445] : memref<4096x80xi32, #tpu.memory_space<hbm>> -> memref<8x80xi32, #tpu.memory_space<hbm>>
        tpu.wait_dma2 semaphore(%arg14 : memref<!tpu.dma_semaphore, #tpu.memory_space<semaphore_mem>>) src(%dma_wait3A_446 : memref<8x80xi32, #tpu.memory_space<hbm>>) dst(%dma_wait3A_440 : memref<8x80xi32, #tpu.memory_space<vmem>>)
        %dma_wait3A_447 = arith.constant 0 : i32
        %dma_wait3A_448 = arith.constant 0 : i32
        %dma_wait3A_449 = tpu.memref_slice %arg6[%dma_wait3A_447, %dma_wait3A_448] : memref<16x80xi32, #tpu.memory_space<vmem>> -> memref<8x80xi32, #tpu.memory_space<vmem>>
        %dma_wait3A_450 = arith.constant 0 : i32
        %dma_wait3A_451 = arith.constant 0 : i32
        %dma_wait3A_452 = tpu.memref_slice %arg2[%scan3A_57, %dma_wait3A_450, %dma_wait3A_451] : memref<2x4096x80xi32, #tpu.memory_space<hbm>> -> memref<1x4096x80xi32, #tpu.memory_space<hbm>>
        %dma_wait3A_453 = tpu.memref_squeeze %dma_wait3A_452 : memref<1x4096x80xi32, #tpu.memory_space<hbm>> -> memref<4096x80xi32, #tpu.memory_space<hbm>>
        %dma_wait3A_454 = arith.constant 0 : i32
        %dma_wait3A_455 = tpu.memref_slice %dma_wait3A_453[%mul3A_2, %dma_wait3A_454] : memref<4096x80xi32, #tpu.memory_space<hbm>> -> memref<8x80xi32, #tpu.memory_space<hbm>>
        %dma_wait3A_456 = arith.constant 0 : i32
        %dma_wait3A_457 = arith.constant 0 : i32
        %dma_wait3A_458 = tpu.memref_slice %arg6[%dma_wait3A_456, %dma_wait3A_457] : memref<16x80xi32, #tpu.memory_space<vmem>> -> memref<8x80xi32, #tpu.memory_space<vmem>>
        %dma_wait3A_459 = arith.constant 0 : i32
        %dma_wait3A_460 = arith.constant 0 : i32
        %dma_wait3A_461 = tpu.memref_slice %arg2[%scan3A_57, %dma_wait3A_459, %dma_wait3A_460] : memref<2x4096x80xi32, #tpu.memory_space<hbm>> -> memref<1x4096x80xi32, #tpu.memory_space<hbm>>
        %dma_wait3A_462 = tpu.memref_squeeze %dma_wait3A_461 : memref<1x4096x80xi32, #tpu.memory_space<hbm>> -> memref<4096x80xi32, #tpu.memory_space<hbm>>
        %dma_wait3A_463 = arith.constant 0 : i32
        %dma_wait3A_464 = tpu.memref_slice %dma_wait3A_462[%mul3A_2, %dma_wait3A_463] : memref<4096x80xi32, #tpu.memory_space<hbm>> -> memref<8x80xi32, #tpu.memory_space<hbm>>
        tpu.wait_dma2 semaphore(%arg14 : memref<!tpu.dma_semaphore, #tpu.memory_space<semaphore_mem>>) src(%dma_wait3A_464 : memref<8x80xi32, #tpu.memory_space<hbm>>) dst(%dma_wait3A_458 : memref<8x80xi32, #tpu.memory_space<vmem>>)
      } else {
      }
      %add3A_368 = arith.constant 2 : i32
      %add3A_369 = arith.addi %add3A_339, %add3A_368 : i32
      %lt3A_370 = arith.constant 128 : i32
      %lt3A_371 = arith.cmpi slt, %add3A_369, %lt3A_370 : i32
      %convert_element_type3A_372 = arith.extui %lt3A_371 : i1 to i32
      %cond3A_373 = arith.constant 0 : i32
      %cond3A_374 = arith.cmpi ne, %convert_element_type3A_372, %cond3A_373 : i32
      scf.if %cond3A_374 {
        %add3A_429 = arith.constant 2 : i32
        %add3A_430 = arith.addi %add3A_339, %add3A_429 : i32
        %jit3A_431 = arith.constant 16 : i32
        %eq3A_432 = arith.constant 0 : i32
        %eq3A_433 = arith.cmpi eq, %jit3A_431, %eq3A_432 : i32
        %jit3A_434 = arith.constant 1 : i32
        %select_n3A_435 = arith.select %eq3A_433, %jit3A_434, %jit3A_431 : i32
        %rem3A_436 = arith.remsi %add3A_430, %select_n3A_435 : i32
        %ne3A_437 = arith.constant 0 : i32
        %ne3A_438 = arith.cmpi ne, %rem3A_436, %ne3A_437 : i32
        %lt3A_439 = arith.constant 0 : i32
        %lt3A_440 = arith.cmpi slt, %rem3A_436, %lt3A_439 : i32
        %lt3A_441 = arith.constant 0 : i32
        %lt3A_442 = arith.cmpi slt, %select_n3A_435, %lt3A_441 : i32
        %ne3A_443 = arith.xori %lt3A_440, %lt3A_442 : i1
        %and3A_444 = arith.andi %ne3A_443, %ne3A_438 : i1
        %add3A_445 = arith.addi %rem3A_436, %select_n3A_435 : i32
        %select_n3A_446 = arith.select %and3A_444, %add3A_445, %rem3A_436 : i32
        %dma_start3A_447 = arith.constant 0 : i32
        %dma_start3A_448 = tpu.memref_slice %arg5[%select_n3A_446, %dma_start3A_447] : memref<16x80xi32, #tpu.memory_space<vmem>> -> memref<1x80xi32, #tpu.memory_space<vmem>>
        %dma_start3A_449 = tpu.memref_squeeze %dma_start3A_448 : memref<1x80xi32, #tpu.memory_space<vmem>> -> memref<80xi32, #tpu.memory_space<vmem>>
        %dma_start3A_450 = arith.constant 0 : i32
        %dma_start3A_451 = arith.constant 0 : i32
        %dma_start3A_452 = tpu.memref_slice %arg3[%dma_start3A_450, %dma_start3A_451] : memref<10000x128xf32, #tpu.memory_space<hbm>> -> memref<10000x128xf32, #tpu.memory_space<hbm>>
        tpu.enqueue_indirect_dma source(%dma_start3A_452 : memref<10000x128xf32, #tpu.memory_space<hbm>>) target(%arg7 : memref<80x128xf32, #tpu.memory_space<vmem>>) offsets(%dma_start3A_449 : memref<80xi32, #tpu.memory_space<vmem>>) semaphore(%arg12 : memref<!tpu.dma_semaphore, #tpu.memory_space<semaphore_mem>>)
      } else {
      }
      %dma_wait3A_375 = arith.constant 0 : i32
      %dma_wait3A_376 = tpu.memref_slice %arg5[%select_n3A_355, %dma_wait3A_375] : memref<16x80xi32, #tpu.memory_space<vmem>> -> memref<1x80xi32, #tpu.memory_space<vmem>>
      %dma_wait3A_377 = tpu.memref_squeeze %dma_wait3A_376 : memref<1x80xi32, #tpu.memory_space<vmem>> -> memref<80xi32, #tpu.memory_space<vmem>>
      %dma_wait3A_378 = arith.constant 0 : i32
      %dma_wait3A_379 = arith.constant 0 : i32
      %dma_wait3A_380 = tpu.memref_slice %arg3[%dma_wait3A_378, %dma_wait3A_379] : memref<10000x128xf32, #tpu.memory_space<hbm>> -> memref<10000x128xf32, #tpu.memory_space<hbm>>
      tpu.wait_indirect_dma semaphore(%arg12 : memref<!tpu.dma_semaphore, #tpu.memory_space<semaphore_mem>>) src(%dma_wait3A_380 : memref<10000x128xf32, #tpu.memory_space<hbm>>) dst(%arg9 : memref<80x128xf32, #tpu.memory_space<vmem>>)
      %dma_start3A_381 = arith.constant 0 : i32
      %dma_start3A_382 = tpu.memref_slice %arg6[%select_n3A_355, %dma_start3A_381] : memref<16x80xi32, #tpu.memory_space<vmem>> -> memref<1x80xi32, #tpu.memory_space<vmem>>
      %dma_start3A_383 = tpu.memref_squeeze %dma_start3A_382 : memref<1x80xi32, #tpu.memory_space<vmem>> -> memref<80xi32, #tpu.memory_space<vmem>>
      %dma_start3A_384 = arith.constant 0 : i32
      %dma_start3A_385 = arith.constant 0 : i32
      %dma_start3A_386 = tpu.memref_slice %arg11[%dma_start3A_384, %dma_start3A_385] : memref<10240x128xf32, #tpu.memory_space<vmem_shared>> -> memref<10240x128xf32, #tpu.memory_space<vmem_shared>>
      tpu.enqueue_indirect_dma source(%arg9 : memref<80x128xf32, #tpu.memory_space<vmem>>) target(%dma_start3A_386 : memref<10240x128xf32, #tpu.memory_space<vmem_shared>>) offsets(%dma_start3A_383 : memref<80xi32, #tpu.memory_space<vmem>>) semaphore(%arg13 : memref<!tpu.dma_semaphore, #tpu.memory_space<semaphore_mem>>) {add = true}
      %add3A_387 = arith.constant 7 : i32
      %add3A_388 = arith.addi %mul3A_85, %add3A_387 : i32
      %jit3A_389 = arith.constant 16 : i32
      %eq3A_390 = arith.constant 0 : i32
      %eq3A_391 = arith.cmpi eq, %jit3A_389, %eq3A_390 : i32
      %jit3A_392 = arith.constant 1 : i32
      %select_n3A_393 = arith.select %eq3A_391, %jit3A_392, %jit3A_389 : i32
      %rem3A_394 = arith.remsi %add3A_388, %select_n3A_393 : i32
      %ne3A_395 = arith.constant 0 : i32
      %ne3A_396 = arith.cmpi ne, %rem3A_394, %ne3A_395 : i32
      %lt3A_397 = arith.constant 0 : i32
      %lt3A_398 = arith.cmpi slt, %rem3A_394, %lt3A_397 : i32
      %lt3A_399 = arith.constant 0 : i32
      %lt3A_400 = arith.cmpi slt, %select_n3A_393, %lt3A_399 : i32
      %ne3A_401 = arith.xori %lt3A_398, %lt3A_400 : i1
      %and3A_402 = arith.andi %ne3A_401, %ne3A_396 : i1
      %add3A_403 = arith.addi %rem3A_394, %select_n3A_393 : i32
      %select_n3A_404 = arith.select %and3A_402, %add3A_403, %rem3A_394 : i32
      %ge3A_405 = arith.constant 2 : i32
      %ge3A_406 = arith.cmpi sge, %add3A_388, %ge3A_405 : i32
      %convert_element_type3A_407 = arith.extui %ge3A_406 : i1 to i32
      %cond3A_408 = arith.constant 0 : i32
      %cond3A_409 = arith.cmpi ne, %convert_element_type3A_407, %cond3A_408 : i32
      scf.if %cond3A_409 {
        %dma_wait3A_429 = arith.constant 0 : i32
        %dma_wait3A_430 = tpu.memref_slice %arg6[%select_n3A_404, %dma_wait3A_429] : memref<16x80xi32, #tpu.memory_space<vmem>> -> memref<1x80xi32, #tpu.memory_space<vmem>>
        %dma_wait3A_431 = tpu.memref_squeeze %dma_wait3A_430 : memref<1x80xi32, #tpu.memory_space<vmem>> -> memref<80xi32, #tpu.memory_space<vmem>>
        %dma_wait3A_432 = arith.constant 0 : i32
        %dma_wait3A_433 = arith.constant 0 : i32
        %dma_wait3A_434 = tpu.memref_slice %arg11[%dma_wait3A_432, %dma_wait3A_433] : memref<10240x128xf32, #tpu.memory_space<vmem_shared>> -> memref<10240x128xf32, #tpu.memory_space<vmem_shared>>
        tpu.wait_indirect_dma semaphore(%arg13 : memref<!tpu.dma_semaphore, #tpu.memory_space<semaphore_mem>>) src(%arg8 : memref<80x128xf32, #tpu.memory_space<vmem>>) dst(%dma_wait3A_434 : memref<10240x128xf32, #tpu.memory_space<vmem_shared>>)
      } else {
      }
      %add3A_410 = arith.constant 2 : i32
      %add3A_411 = arith.addi %add3A_388, %add3A_410 : i32
      %lt3A_412 = arith.constant 128 : i32
      %lt3A_413 = arith.cmpi slt, %add3A_411, %lt3A_412 : i32
      %convert_element_type3A_414 = arith.extui %lt3A_413 : i1 to i32
      %cond3A_415 = arith.constant 0 : i32
      %cond3A_416 = arith.cmpi ne, %convert_element_type3A_414, %cond3A_415 : i32
      scf.if %cond3A_416 {
        %add3A_429 = arith.constant 2 : i32
        %add3A_430 = arith.addi %add3A_388, %add3A_429 : i32
        %jit3A_431 = arith.constant 16 : i32
        %eq3A_432 = arith.constant 0 : i32
        %eq3A_433 = arith.cmpi eq, %jit3A_431, %eq3A_432 : i32
        %jit3A_434 = arith.constant 1 : i32
        %select_n3A_435 = arith.select %eq3A_433, %jit3A_434, %jit3A_431 : i32
        %rem3A_436 = arith.remsi %add3A_430, %select_n3A_435 : i32
        %ne3A_437 = arith.constant 0 : i32
        %ne3A_438 = arith.cmpi ne, %rem3A_436, %ne3A_437 : i32
        %lt3A_439 = arith.constant 0 : i32
        %lt3A_440 = arith.cmpi slt, %rem3A_436, %lt3A_439 : i32
        %lt3A_441 = arith.constant 0 : i32
        %lt3A_442 = arith.cmpi slt, %select_n3A_435, %lt3A_441 : i32
        %ne3A_443 = arith.xori %lt3A_440, %lt3A_442 : i1
        %and3A_444 = arith.andi %ne3A_443, %ne3A_438 : i1
        %add3A_445 = arith.addi %rem3A_436, %select_n3A_435 : i32
        %select_n3A_446 = arith.select %and3A_444, %add3A_445, %rem3A_436 : i32
        %dma_start3A_447 = arith.constant 0 : i32
        %dma_start3A_448 = tpu.memref_slice %arg5[%select_n3A_446, %dma_start3A_447] : memref<16x80xi32, #tpu.memory_space<vmem>> -> memref<1x80xi32, #tpu.memory_space<vmem>>
        %dma_start3A_449 = tpu.memref_squeeze %dma_start3A_448 : memref<1x80xi32, #tpu.memory_space<vmem>> -> memref<80xi32, #tpu.memory_space<vmem>>
        %dma_start3A_450 = arith.constant 0 : i32
        %dma_start3A_451 = arith.constant 0 : i32
        %dma_start3A_452 = tpu.memref_slice %arg3[%dma_start3A_450, %dma_start3A_451] : memref<10000x128xf32, #tpu.memory_space<hbm>> -> memref<10000x128xf32, #tpu.memory_space<hbm>>
        tpu.enqueue_indirect_dma source(%dma_start3A_452 : memref<10000x128xf32, #tpu.memory_space<hbm>>) target(%arg8 : memref<80x128xf32, #tpu.memory_space<vmem>>) offsets(%dma_start3A_449 : memref<80xi32, #tpu.memory_space<vmem>>) semaphore(%arg12 : memref<!tpu.dma_semaphore, #tpu.memory_space<semaphore_mem>>)
      } else {
      }
      %dma_wait3A_417 = arith.constant 0 : i32
      %dma_wait3A_418 = tpu.memref_slice %arg5[%select_n3A_404, %dma_wait3A_417] : memref<16x80xi32, #tpu.memory_space<vmem>> -> memref<1x80xi32, #tpu.memory_space<vmem>>
      %dma_wait3A_419 = tpu.memref_squeeze %dma_wait3A_418 : memref<1x80xi32, #tpu.memory_space<vmem>> -> memref<80xi32, #tpu.memory_space<vmem>>
      %dma_wait3A_420 = arith.constant 0 : i32
      %dma_wait3A_421 = arith.constant 0 : i32
      %dma_wait3A_422 = tpu.memref_slice %arg3[%dma_wait3A_420, %dma_wait3A_421] : memref<10000x128xf32, #tpu.memory_space<hbm>> -> memref<10000x128xf32, #tpu.memory_space<hbm>>
      tpu.wait_indirect_dma semaphore(%arg12 : memref<!tpu.dma_semaphore, #tpu.memory_space<semaphore_mem>>) src(%dma_wait3A_422 : memref<10000x128xf32, #tpu.memory_space<hbm>>) dst(%arg10 : memref<80x128xf32, #tpu.memory_space<vmem>>)
      %dma_start3A_423 = arith.constant 0 : i32
      %dma_start3A_424 = tpu.memref_slice %arg6[%select_n3A_404, %dma_start3A_423] : memref<16x80xi32, #tpu.memory_space<vmem>> -> memref<1x80xi32, #tpu.memory_space<vmem>>
      %dma_start3A_425 = tpu.memref_squeeze %dma_start3A_424 : memref<1x80xi32, #tpu.memory_space<vmem>> -> memref<80xi32, #tpu.memory_space<vmem>>
      %dma_start3A_426 = arith.constant 0 : i32
      %dma_start3A_427 = arith.constant 0 : i32
      %dma_start3A_428 = tpu.memref_slice %arg11[%dma_start3A_426, %dma_start3A_427] : memref<10240x128xf32, #tpu.memory_space<vmem_shared>> -> memref<10240x128xf32, #tpu.memory_space<vmem_shared>>
      tpu.enqueue_indirect_dma source(%arg10 : memref<80x128xf32, #tpu.memory_space<vmem>>) target(%dma_start3A_428 : memref<10240x128xf32, #tpu.memory_space<vmem_shared>>) offsets(%dma_start3A_425 : memref<80xi32, #tpu.memory_space<vmem>>) semaphore(%arg13 : memref<!tpu.dma_semaphore, #tpu.memory_space<semaphore_mem>>) {add = true}
    }
    %scan3A_62 = arith.constant 16 : i32
    %dma_wait3A = arith.constant 0 : i32
    %dma_wait3A_63 = arith.constant 0 : i32
    %dma_wait3A_64 = tpu.memref_slice %arg6[%dma_wait3A, %dma_wait3A_63] : memref<16x80xi32, #tpu.memory_space<vmem>> -> memref<1x80xi32, #tpu.memory_space<vmem>>
    %dma_wait3A_65 = tpu.memref_squeeze %dma_wait3A_64 : memref<1x80xi32, #tpu.memory_space<vmem>> -> memref<80xi32, #tpu.memory_space<vmem>>
    %dma_wait3A_66 = arith.constant 0 : i32
    %dma_wait3A_67 = arith.constant 0 : i32
    %dma_wait3A_68 = tpu.memref_slice %arg11[%dma_wait3A_66, %dma_wait3A_67] : memref<10240x128xf32, #tpu.memory_space<vmem_shared>> -> memref<10240x128xf32, #tpu.memory_space<vmem_shared>>
    tpu.wait_indirect_dma semaphore(%arg13 : memref<!tpu.dma_semaphore, #tpu.memory_space<semaphore_mem>>) src(%arg7 : memref<80x128xf32, #tpu.memory_space<vmem>>) dst(%dma_wait3A_68 : memref<10240x128xf32, #tpu.memory_space<vmem_shared>>)
    %dma_wait3A_69 = arith.constant 0 : i32
    %dma_wait3A_70 = arith.constant 0 : i32
    %dma_wait3A_71 = tpu.memref_slice %arg6[%dma_wait3A_69, %dma_wait3A_70] : memref<16x80xi32, #tpu.memory_space<vmem>> -> memref<1x80xi32, #tpu.memory_space<vmem>>
    %dma_wait3A_72 = tpu.memref_squeeze %dma_wait3A_71 : memref<1x80xi32, #tpu.memory_space<vmem>> -> memref<80xi32, #tpu.memory_space<vmem>>
    %dma_wait3A_73 = arith.constant 0 : i32
    %dma_wait3A_74 = arith.constant 0 : i32
    %dma_wait3A_75 = tpu.memref_slice %arg11[%dma_wait3A_73, %dma_wait3A_74] : memref<10240x128xf32, #tpu.memory_space<vmem_shared>> -> memref<10240x128xf32, #tpu.memory_space<vmem_shared>>
    tpu.wait_indirect_dma semaphore(%arg13 : memref<!tpu.dma_semaphore, #tpu.memory_space<semaphore_mem>>) src(%arg8 : memref<80x128xf32, #tpu.memory_space<vmem>>) dst(%dma_wait3A_75 : memref<10240x128xf32, #tpu.memory_space<vmem_shared>>)
    %barrier3A_76 = arith.constant 0 : index
    tpu.barrier barrier_id(%barrier3A_76)
    %mul3A_77 = arith.constant 624 : i32
    %mul3A_78 = arith.muli %arg1, %mul3A_77 : i32
    %mul3A_79 = arith.constant 624 : i32
    %mul3A_80 = arith.muli %arg1, %mul3A_79 : i32
    "tpu.region"() ({
      %run_scoped3A_83 = tpu.sem_alloc : memref<!tpu.dma_semaphore, #tpu.memory_space<semaphore_mem>>
      %dma_start3A_84 = arith.constant 0 : i32
      %dma_start3A_85 = tpu.memref_slice %arg4[%arg0, %mul3A_80, %dma_start3A_84] : memref<2x10000x128xf32, #tpu.memory_space<hbm>> -> memref<1x624x128xf32, #tpu.memory_space<hbm>>
      %dma_start3A_86 = tpu.memref_squeeze %dma_start3A_85 : memref<1x624x128xf32, #tpu.memory_space<hbm>> -> memref<624x128xf32, #tpu.memory_space<hbm>>
      %dma_start3A_87 = arith.constant 0 : i32
      %dma_start3A_88 = tpu.memref_slice %arg11[%mul3A_78, %dma_start3A_87] : memref<10240x128xf32, #tpu.memory_space<vmem_shared>> -> memref<624x128xf32, #tpu.memory_space<vmem_shared>>
      tpu.enqueue_dma source(%dma_start3A_88 : memref<624x128xf32, #tpu.memory_space<vmem_shared>>) target(%dma_start3A_86 : memref<624x128xf32, #tpu.memory_space<hbm>>) target_semaphore(%run_scoped3A_83 : memref<!tpu.dma_semaphore, #tpu.memory_space<semaphore_mem>>)
      %dma_wait3A_89 = arith.constant 0 : i32
      %dma_wait3A_90 = tpu.memref_slice %arg4[%arg0, %mul3A_80, %dma_wait3A_89] : memref<2x10000x128xf32, #tpu.memory_space<hbm>> -> memref<1x624x128xf32, #tpu.memory_space<hbm>>
      %dma_wait3A_91 = tpu.memref_squeeze %dma_wait3A_90 : memref<1x624x128xf32, #tpu.memory_space<hbm>> -> memref<624x128xf32, #tpu.memory_space<hbm>>
      %dma_wait3A_92 = arith.constant 0 : i32
      %dma_wait3A_93 = tpu.memref_slice %arg11[%mul3A_78, %dma_wait3A_92] : memref<10240x128xf32, #tpu.memory_space<vmem_shared>> -> memref<624x128xf32, #tpu.memory_space<vmem_shared>>
      tpu.wait_dma2 semaphore(%run_scoped3A_83 : memref<!tpu.dma_semaphore, #tpu.memory_space<semaphore_mem>>) src(%dma_wait3A_93 : memref<624x128xf32, #tpu.memory_space<vmem_shared>>) dst(%dma_wait3A_91 : memref<624x128xf32, #tpu.memory_space<hbm>>)
      tpu.yield
    }) : () -> ()
    %eq3A = arith.constant 15 : i32
    %eq3A_81 = arith.cmpi eq, %arg1, %eq3A : i32
    %convert_element_type3A = arith.extui %eq3A_81 : i1 to i32
    %cond3A = arith.constant 0 : i32
    %cond3A_82 = arith.cmpi ne, %convert_element_type3A, %cond3A : i32
    scf.if %cond3A_82 {
      "tpu.region"() ({
        %run_scoped3A_83 = tpu.sem_alloc : memref<!tpu.dma_semaphore, #tpu.memory_space<semaphore_mem>>
        %dma_start3A_84 = arith.constant 9984 : i32
        %dma_start3A_85 = arith.constant 0 : i32
        %dma_start3A_86 = tpu.memref_slice %arg4[%arg0, %dma_start3A_84, %dma_start3A_85] : memref<2x10000x128xf32, #tpu.memory_space<hbm>> -> memref<1x16x128xf32, #tpu.memory_space<hbm>>
        %dma_start3A_87 = tpu.memref_squeeze %dma_start3A_86 : memref<1x16x128xf32, #tpu.memory_space<hbm>> -> memref<16x128xf32, #tpu.memory_space<hbm>>
        %dma_start3A_88 = arith.constant 9984 : i32
        %dma_start3A_89 = arith.constant 0 : i32
        %dma_start3A_90 = tpu.memref_slice %arg11[%dma_start3A_88, %dma_start3A_89] : memref<10240x128xf32, #tpu.memory_space<vmem_shared>> -> memref<16x128xf32, #tpu.memory_space<vmem_shared>>
        tpu.enqueue_dma source(%dma_start3A_90 : memref<16x128xf32, #tpu.memory_space<vmem_shared>>) target(%dma_start3A_87 : memref<16x128xf32, #tpu.memory_space<hbm>>) target_semaphore(%run_scoped3A_83 : memref<!tpu.dma_semaphore, #tpu.memory_space<semaphore_mem>>)
        %dma_wait3A_91 = arith.constant 9984 : i32
        %dma_wait3A_92 = arith.constant 0 : i32
        %dma_wait3A_93 = tpu.memref_slice %arg4[%arg0, %dma_wait3A_91, %dma_wait3A_92] : memref<2x10000x128xf32, #tpu.memory_space<hbm>> -> memref<1x16x128xf32, #tpu.memory_space<hbm>>
        %dma_wait3A_94 = tpu.memref_squeeze %dma_wait3A_93 : memref<1x16x128xf32, #tpu.memory_space<hbm>> -> memref<16x128xf32, #tpu.memory_space<hbm>>
        %dma_wait3A_95 = arith.constant 9984 : i32
        %dma_wait3A_96 = arith.constant 0 : i32
        %dma_wait3A_97 = tpu.memref_slice %arg11[%dma_wait3A_95, %dma_wait3A_96] : memref<10240x128xf32, #tpu.memory_space<vmem_shared>> -> memref<16x128xf32, #tpu.memory_space<vmem_shared>>
        tpu.wait_dma2 semaphore(%run_scoped3A_83 : memref<!tpu.dma_semaphore, #tpu.memory_space<semaphore_mem>>) src(%dma_wait3A_97 : memref<16x128xf32, #tpu.memory_space<vmem_shared>>) dst(%dma_wait3A_94 : memref<16x128xf32, #tpu.memory_space<hbm>>)
        tpu.yield
      }) : () -> ()
    } else {
    }
    return
  }
}

module attributes {stable_mosaic.version = 14 : i64} {
  func.func @_tc_root_body(%arg0: i32, %arg1: memref<1000x128xf32, #tpu.memory_space<vmem>>, %arg2: memref<128x128xf32, #tpu.memory_space<vmem>>, %arg3: memref<1x128xf32, #tpu.memory_space<vmem>>, %arg4: memref<1000x128xf32, #tpu.memory_space<vmem>>) attributes {dimension_semantics = [#tpu.dimension_semantics<arbitrary>], iteration_bounds = array<i64: 10>, scalar_prefetch = 0 : i64, scratch_operands = 0 : i64, tpu.core_type = #tpu.core_type<tc>, window_params = [{transform_indices = @transform_0, window_bounds = array<i64: 1000, 128>}, {pipeline_mode = #tpu.pipeline_mode<synchronous>, transform_indices = @transform_1, window_bounds = array<i64: 128, 128>}, {pipeline_mode = #tpu.pipeline_mode<synchronous>, transform_indices = @transform_2, window_bounds = array<i64: 1, 128>}, {transform_indices = @transform_3, window_bounds = array<i64: 1000, 128>}]} {
    %get3A = arith.constant 0 : index
    %get3A_0 = arith.constant 0 : index
    %get3A_1 = vector.load %arg1[%get3A, %get3A_0] : memref<1000x128xf32, #tpu.memory_space<vmem>>, vector<1000x128xf32>
    %get3A_2 = arith.constant 0 : index
    %get3A_3 = arith.constant 0 : index
    %get3A_4 = vector.load %arg2[%get3A_2, %get3A_3] : memref<128x128xf32, #tpu.memory_space<vmem>>, vector<128x128xf32>
    %dot_general3A = arith.constant dense<0.000000e+00> : vector<1000x128xf32>
    %dot_general3A_5 = tpu.matmul %get3A_1, %get3A_4, %dot_general3A {dimension_numbers = #tpu.dot_dimension_numbers<[1], [0], [0], [1], [0, 0, 1, 1], [], []>, transpose_lhs_hint = false} : vector<1000x128xf32>, vector<128x128xf32>, vector<1000x128xf32> -> vector<1000x128xf32>
    %get3A_6 = arith.constant 0 : index
    %get3A_7 = arith.constant 0 : index
    %get3A_8 = vector.load %arg3[%get3A_6, %get3A_7] : memref<1x128xf32, #tpu.memory_space<vmem>>, vector<1x128xf32>
    %add3A = vector.broadcast %get3A_8 : vector<1x128xf32> to vector<1000x128xf32>
    %add3A_9 = arith.addf %dot_general3A_5, %add3A : vector<1000x128xf32>
    %swap3A = arith.constant 0 : index
    %swap3A_10 = arith.constant 0 : index
    %swap3A_11 = vector.load %arg4[%swap3A, %swap3A_10] : memref<1000x128xf32, #tpu.memory_space<vmem>>, vector<1000x128xf32>
    tpu.vector_store %arg4[%swap3A, %swap3A_10], %add3A_9 {strides = array<i32>} : memref<1000x128xf32, #tpu.memory_space<vmem>>, vector<1000x128xf32>,
    return
  }
  func.func @transform_0(%arg0: i32) -> (i32, i32) {
    %c0_i32 = arith.constant 0 : i32
    %c0_i32_0 = arith.constant 0 : i32
    return %arg0, %c0_i32 : i32, i32
  }
  func.func @transform_1(%arg0: i32) -> (i32, i32) {
    %c0_i32 = arith.constant 0 : i32
    %c0_i32_0 = arith.constant 0 : i32
    %c0_i32_1 = arith.constant 0 : i32
    return %c0_i32, %c0_i32_0 : i32, i32
  }
  func.func @transform_2(%arg0: i32) -> (i32, i32) {
    %c0_i32 = arith.constant 0 : i32
    %c0_i32_0 = arith.constant 0 : i32
    %c0_i32_1 = arith.constant 0 : i32
    return %c0_i32, %c0_i32_0 : i32, i32
  }
  func.func @transform_3(%arg0: i32) -> (i32, i32) {
    %c0_i32 = arith.constant 0 : i32
    %c0_i32_0 = arith.constant 0 : i32
    return %arg0, %c0_i32 : i32, i32
  }
}

module attributes {stable_mosaic.version = 14 : i64} {
  func.func @_tc_body(%arg0: i32, %arg1: memref<2x1000x128xf32, #tpu.memory_space<vmem>>, %arg2: memref<1000x128xf32, #tpu.memory_space<vmem>>, %arg3: memref<1000x1xi32, #tpu.memory_space<vmem>>, %arg4: memref<128x128xf32, #tpu.memory_space<vmem>>, %arg5: memref<1x128xf32, #tpu.memory_space<vmem>>, %arg6: memref<128x128xf32, #tpu.memory_space<vmem>>, %arg7: memref<1x128xf32, #tpu.memory_space<vmem>>, %arg8: memref<128x128xf32, #tpu.memory_space<vmem>>, %arg9: memref<64x128xf32, #tpu.memory_space<vmem>>, %arg10: memref<64x128xf32, #tpu.memory_space<vmem>>) attributes {dimension_semantics = [#tpu.dimension_semantics<arbitrary>], iteration_bounds = array<i64: 10>, scalar_prefetch = 0 : i64, scratch_operands = 1 : i64, tpu.core_type = #tpu.core_type<tc>, window_params = [{transform_indices = @transform_0, window_bounds = array<i64: 2, 1000, 128>}, {transform_indices = @transform_1, window_bounds = array<i64: 1000, 128>}, {transform_indices = @transform_2, window_bounds = array<i64: 1000, 1>}, {pipeline_mode = #tpu.pipeline_mode<synchronous>, transform_indices = @transform_3, window_bounds = array<i64: 128, 128>}, {pipeline_mode = #tpu.pipeline_mode<synchronous>, transform_indices = @transform_4, window_bounds = array<i64: 1, 128>}, {pipeline_mode = #tpu.pipeline_mode<synchronous>, transform_indices = @transform_5, window_bounds = array<i64: 128, 128>}, {pipeline_mode = #tpu.pipeline_mode<synchronous>, transform_indices = @transform_6, window_bounds = array<i64: 1, 128>}, {pipeline_mode = #tpu.pipeline_mode<synchronous>, transform_indices = @transform_7, window_bounds = array<i64: 128, 128>}, {pipeline_mode = #tpu.pipeline_mode<synchronous>, transform_indices = @transform_8, window_bounds = array<i64: 64, 128>}]} {
    %eq3A = arith.constant 0 : i32
    %eq3A_0 = arith.cmpi eq, %arg0, %eq3A : i32
    %convert_element_type3A = arith.extui %eq3A_0 : i1 to i32
    %cond3A = arith.constant 0 : i32
    %cond3A_1 = arith.cmpi ne, %convert_element_type3A, %cond3A : i32
    scf.if %cond3A_1 {
      %broadcast_in_dim3A = arith.constant 0xFF800000 : f32
      %broadcast_in_dim3A_47 = vector.broadcast %broadcast_in_dim3A : f32 to vector<64x128xf32>
      %swap3A = arith.constant 0 : index
      %swap3A_48 = arith.constant 0 : index
      %swap3A_49 = vector.load %arg10[%swap3A, %swap3A_48] : memref<64x128xf32, #tpu.memory_space<vmem>>, vector<64x128xf32>
      tpu.vector_store %arg10[%swap3A, %swap3A_48], %broadcast_in_dim3A_47 {strides = array<i32>} : memref<64x128xf32, #tpu.memory_space<vmem>>, vector<64x128xf32>,
    } else {
    }
    %get3A = arith.constant 0 : index
    %get3A_2 = arith.constant 0 : index
    %get3A_3 = arith.constant 0 : index
    %get3A_4 = vector.load %arg1[%get3A, %get3A_2, %get3A_3] : memref<2x1000x128xf32, #tpu.memory_space<vmem>>, vector<1x1000x128xf32>
    %get3A_5 = vector.shape_cast %get3A_4 : vector<1x1000x128xf32> to vector<1000x128xf32>
    %get3A_6 = arith.constant 1 : index
    %get3A_7 = arith.constant 0 : index
    %get3A_8 = arith.constant 0 : index
    %get3A_9 = vector.load %arg1[%get3A_6, %get3A_7, %get3A_8] : memref<2x1000x128xf32, #tpu.memory_space<vmem>>, vector<1x1000x128xf32>
    %get3A_10 = vector.shape_cast %get3A_9 : vector<1x1000x128xf32> to vector<1000x128xf32>
    %add3A = arith.addf %get3A_5, %get3A_10 : vector<1000x128xf32>
    %get3A_11 = arith.constant 0 : index
    %get3A_12 = arith.constant 0 : index
    %get3A_13 = vector.load %arg8[%get3A_11, %get3A_12] : memref<128x128xf32, #tpu.memory_space<vmem>>, vector<128x128xf32>
    %dot_general3A = arith.constant dense<0.000000e+00> : vector<1000x128xf32>
    %dot_general3A_14 = tpu.matmul %add3A, %get3A_13, %dot_general3A {dimension_numbers = #tpu.dot_dimension_numbers<[1], [0], [0], [1], [0, 0, 1, 1], [], []>, transpose_lhs_hint = false} : vector<1000x128xf32>, vector<128x128xf32>, vector<1000x128xf32> -> vector<1000x128xf32>
    %get3A_15 = arith.constant 0 : index
    %get3A_16 = arith.constant 0 : index
    %get3A_17 = vector.load %arg2[%get3A_15, %get3A_16] : memref<1000x128xf32, #tpu.memory_space<vmem>>, vector<1000x128xf32>
    %add3A_18 = arith.addf %dot_general3A_14, %get3A_17 : vector<1000x128xf32>
    %max3A = arith.constant 0.000000e+00 : f32
    %max3A_19 = vector.broadcast %max3A : f32 to vector<1000x128xf32>
    %max3A_20 = arith.maximumf %add3A_18, %max3A_19 : vector<1000x128xf32>
    %get3A_21 = arith.constant 0 : index
    %get3A_22 = arith.constant 0 : index
    %get3A_23 = vector.load %arg3[%get3A_21, %get3A_22] : memref<1000x1xi32, #tpu.memory_space<vmem>>, vector<1000x1xi32>
    %get3A_24 = arith.constant 0 : index
    %get3A_25 = arith.constant 0 : index
    %get3A_26 = vector.load %arg3[%get3A_24, %get3A_25] : memref<1000x1xi32, #tpu.memory_space<vmem>>, vector<1x1xi32>
    %get3A_27 = vector.extract %get3A_26[0, 0] : i32 from vector<1x1xi32>
    %get3A_28 = arith.constant 999 : index
    %get3A_29 = arith.constant 0 : index
    %get3A_30 = vector.load %arg3[%get3A_28, %get3A_29] : memref<1000x1xi32, #tpu.memory_space<vmem>>, vector<1x1xi32>
    %get3A_31 = vector.extract %get3A_30[0, 0] : i32 from vector<1x1xi32>
    %add3A_32 = arith.constant 1 : i32
    %add3A_33 = arith.addi %get3A_31, %add3A_32 : i32
    %while3A = arith.constant 0 : i32
    %while3A_34 = arith.subi %add3A_33, %get3A_27 : i32
    %while3A_35 = arith.addi %get3A_27, %while3A_34 : i32
    %while3A_36 = arith.constant 1 : i32
    %while3A_37 = arith.divsi %while3A_34, %while3A_36 : i32
    %while3A_38 = arith.muli %while3A_37, %while3A_36 : i32
    %while3A_39 = arith.addi %get3A_27, %while3A_38 : i32
    %while3A_40 = arith.constant 1 : i32
    scf.for %while3A_47 = %get3A_27 to %while3A_39 step %while3A_40  : i32 {
      %eq3A_48 = vector.broadcast %while3A_47 : i32 to vector<1000x1xi32>
      %eq3A_49 = arith.cmpi eq, %get3A_23, %eq3A_48 : vector<1000x1xi32>
      %jit3A = arith.constant 0xFF800000 : f32
      %broadcast_in_dim3A = vector.shape_cast %eq3A_49 : vector<1000x1xi1> to vector<1000x1xi1>
      %broadcast_in_dim3A_50 = vector.broadcast %broadcast_in_dim3A : vector<1000x1xi1> to vector<1000x128xi1>
      %broadcast_in_dim3A_51 = vector.broadcast %jit3A : f32 to vector<1000x128xf32>
      %select_n3A = arith.select %broadcast_in_dim3A_50, %max3A_20, %broadcast_in_dim3A_51 : vector<1000x128xi1>, vector<1000x128xf32>
      %reduce_max3A = arith.constant dense<0xFF800000> : vector<128xf32>
      %reduce_max3A_52 = vector.multi_reduction <maximumf>, %select_n3A, %reduce_max3A [0] : vector<1000x128xf32> to vector<128xf32>
      %get3A_53 = arith.index_cast %while3A_47 : i32 to index
      %get3A_54 = arith.constant 0 : index
      %get3A_55 = vector.load %arg10[%get3A_53, %get3A_54] : memref<64x128xf32, #tpu.memory_space<vmem>>, vector<1x128xf32>
      %broadcast_in_dim3A_56 = vector.shape_cast %reduce_max3A_52 : vector<128xf32> to vector<1x128xf32>
      %max3A_57 = arith.maximumf %get3A_55, %broadcast_in_dim3A_56 : vector<1x128xf32>
      %swap3A = arith.index_cast %while3A_47 : i32 to index
      %swap3A_58 = arith.constant 0 : index
      %swap3A_59 = vector.load %arg10[%swap3A, %swap3A_58] : memref<64x128xf32, #tpu.memory_space<vmem>>, vector<1x128xf32>
      tpu.vector_store %arg10[%swap3A, %swap3A_58], %max3A_57 {strides = array<i32>} : memref<64x128xf32, #tpu.memory_space<vmem>>, vector<1x128xf32>,
    }
    %while3A_41 = arith.constant 1 : i32
    scf.for %while3A_47 = %while3A_39 to %while3A_35 step %while3A_41  : i32 {
      %eq3A_48 = vector.broadcast %while3A_47 : i32 to vector<1000x1xi32>
      %eq3A_49 = arith.cmpi eq, %get3A_23, %eq3A_48 : vector<1000x1xi32>
      %jit3A = arith.constant 0xFF800000 : f32
      %broadcast_in_dim3A = vector.shape_cast %eq3A_49 : vector<1000x1xi1> to vector<1000x1xi1>
      %broadcast_in_dim3A_50 = vector.broadcast %broadcast_in_dim3A : vector<1000x1xi1> to vector<1000x128xi1>
      %broadcast_in_dim3A_51 = vector.broadcast %jit3A : f32 to vector<1000x128xf32>
      %select_n3A = arith.select %broadcast_in_dim3A_50, %max3A_20, %broadcast_in_dim3A_51 : vector<1000x128xi1>, vector<1000x128xf32>
      %reduce_max3A = arith.constant dense<0xFF800000> : vector<128xf32>
      %reduce_max3A_52 = vector.multi_reduction <maximumf>, %select_n3A, %reduce_max3A [0] : vector<1000x128xf32> to vector<128xf32>
      %get3A_53 = arith.index_cast %while3A_47 : i32 to index
      %get3A_54 = arith.constant 0 : index
      %get3A_55 = vector.load %arg10[%get3A_53, %get3A_54] : memref<64x128xf32, #tpu.memory_space<vmem>>, vector<1x128xf32>
      %broadcast_in_dim3A_56 = vector.shape_cast %reduce_max3A_52 : vector<128xf32> to vector<1x128xf32>
      %max3A_57 = arith.maximumf %get3A_55, %broadcast_in_dim3A_56 : vector<1x128xf32>
      %swap3A = arith.index_cast %while3A_47 : i32 to index
      %swap3A_58 = arith.constant 0 : index
      %swap3A_59 = vector.load %arg10[%swap3A, %swap3A_58] : memref<64x128xf32, #tpu.memory_space<vmem>>, vector<1x128xf32>
      tpu.vector_store %arg10[%swap3A, %swap3A_58], %max3A_57 {strides = array<i32>} : memref<64x128xf32, #tpu.memory_space<vmem>>, vector<1x128xf32>,
    }
    %eq3A_42 = arith.constant 9 : i32
    %eq3A_43 = arith.cmpi eq, %arg0, %eq3A_42 : i32
    %convert_element_type3A_44 = arith.extui %eq3A_43 : i1 to i32
    %cond3A_45 = arith.constant 0 : i32
    %cond3A_46 = arith.cmpi ne, %convert_element_type3A_44, %cond3A_45 : i32
    scf.if %cond3A_46 {
      %get3A_47 = arith.constant 0 : index
      %get3A_48 = arith.constant 0 : index
      %get3A_49 = vector.load %arg10[%get3A_47, %get3A_48] : memref<64x128xf32, #tpu.memory_space<vmem>>, vector<64x128xf32>
      %get3A_50 = arith.constant 0 : index
      %get3A_51 = arith.constant 0 : index
      %get3A_52 = vector.load %arg4[%get3A_50, %get3A_51] : memref<128x128xf32, #tpu.memory_space<vmem>>, vector<128x128xf32>
      %dot_general3A_53 = arith.constant dense<0.000000e+00> : vector<64x128xf32>
      %dot_general3A_54 = tpu.matmul %get3A_49, %get3A_52, %dot_general3A_53 {dimension_numbers = #tpu.dot_dimension_numbers<[1], [0], [0], [1], [0, 0, 1, 1], [], []>, transpose_lhs_hint = false} : vector<64x128xf32>, vector<128x128xf32>, vector<64x128xf32> -> vector<64x128xf32>
      %get3A_55 = arith.constant 0 : index
      %get3A_56 = arith.constant 0 : index
      %get3A_57 = vector.load %arg5[%get3A_55, %get3A_56] : memref<1x128xf32, #tpu.memory_space<vmem>>, vector<1x128xf32>
      %add3A_58 = vector.broadcast %get3A_57 : vector<1x128xf32> to vector<64x128xf32>
      %add3A_59 = arith.addf %dot_general3A_54, %add3A_58 : vector<64x128xf32>
      %max3A_60 = arith.constant 0.000000e+00 : f32
      %max3A_61 = vector.broadcast %max3A_60 : f32 to vector<64x128xf32>
      %max3A_62 = arith.maximumf %add3A_59, %max3A_61 : vector<64x128xf32>
      %get3A_63 = arith.constant 0 : index
      %get3A_64 = arith.constant 0 : index
      %get3A_65 = vector.load %arg6[%get3A_63, %get3A_64] : memref<128x128xf32, #tpu.memory_space<vmem>>, vector<128x128xf32>
      %dot_general3A_66 = arith.constant dense<0.000000e+00> : vector<64x128xf32>
      %dot_general3A_67 = tpu.matmul %max3A_62, %get3A_65, %dot_general3A_66 {dimension_numbers = #tpu.dot_dimension_numbers<[1], [0], [0], [1], [0, 0, 1, 1], [], []>, transpose_lhs_hint = false} : vector<64x128xf32>, vector<128x128xf32>, vector<64x128xf32> -> vector<64x128xf32>
      %get3A_68 = arith.constant 0 : index
      %get3A_69 = arith.constant 0 : index
      %get3A_70 = vector.load %arg7[%get3A_68, %get3A_69] : memref<1x128xf32, #tpu.memory_space<vmem>>, vector<1x128xf32>
      %add3A_71 = vector.broadcast %get3A_70 : vector<1x128xf32> to vector<64x128xf32>
      %add3A_72 = arith.addf %dot_general3A_67, %add3A_71 : vector<64x128xf32>
      %swap3A = arith.constant 0 : index
      %swap3A_73 = arith.constant 0 : index
      %swap3A_74 = vector.load %arg9[%swap3A, %swap3A_73] : memref<64x128xf32, #tpu.memory_space<vmem>>, vector<64x128xf32>
      tpu.vector_store %arg9[%swap3A, %swap3A_73], %add3A_72 {strides = array<i32>} : memref<64x128xf32, #tpu.memory_space<vmem>>, vector<64x128xf32>,
    } else {
    }
    return
  }
  func.func @transform_0(%arg0: i32) -> (i32, i32, i32) {
    %c0_i32 = arith.constant 0 : i32
    %c0_i32_0 = arith.constant 0 : i32
    %c0_i32_1 = arith.constant 0 : i32
    return %c0_i32, %arg0, %c0_i32_0 : i32, i32, i32
  }
  func.func @transform_1(%arg0: i32) -> (i32, i32) {
    %c0_i32 = arith.constant 0 : i32
    %c0_i32_0 = arith.constant 0 : i32
    return %arg0, %c0_i32 : i32, i32
  }
  func.func @transform_2(%arg0: i32) -> (i32, i32) {
    %c0_i32 = arith.constant 0 : i32
    %c0_i32_0 = arith.constant 0 : i32
    return %arg0, %c0_i32 : i32, i32
  }
  func.func @transform_3(%arg0: i32) -> (i32, i32) {
    %c0_i32 = arith.constant 0 : i32
    %c0_i32_0 = arith.constant 0 : i32
    %c0_i32_1 = arith.constant 0 : i32
    return %c0_i32, %c0_i32_0 : i32, i32
  }
  func.func @transform_4(%arg0: i32) -> (i32, i32) {
    %c0_i32 = arith.constant 0 : i32
    %c0_i32_0 = arith.constant 0 : i32
    %c0_i32_1 = arith.constant 0 : i32
    return %c0_i32, %c0_i32_0 : i32, i32
  }
  func.func @transform_5(%arg0: i32) -> (i32, i32) {
    %c0_i32 = arith.constant 0 : i32
    %c0_i32_0 = arith.constant 0 : i32
    %c0_i32_1 = arith.constant 0 : i32
    return %c0_i32, %c0_i32_0 : i32, i32
  }
  func.func @transform_6(%arg0: i32) -> (i32, i32) {
    %c0_i32 = arith.constant 0 : i32
    %c0_i32_0 = arith.constant 0 : i32
    %c0_i32_1 = arith.constant 0 : i32
    return %c0_i32, %c0_i32_0 : i32, i32
  }
  func.func @transform_7(%arg0: i32) -> (i32, i32) {
    %c0_i32 = arith.constant 0 : i32
    %c0_i32_0 = arith.constant 0 : i32
    %c0_i32_1 = arith.constant 0 : i32
    return %c0_i32, %c0_i32_0 : i32, i32
  }
  func.func @transform_8(%arg0: i32) -> (i32, i32) {
    %c0_i32 = arith.constant 0 : i32
    %c0_i32_0 = arith.constant 0 : i32
    %c0_i32_1 = arith.constant 0 : i32
    return %c0_i32, %c0_i32_0 : i32, i32
  }
}

</mosaic_0001>

<sc_bundles>
// kernel: kernel.5.cloned.1.call-start
scs
__scs_entry_jumppad:
0x0: {  	(pc) =	sbr.rel $0x88, $3  }
0x1: {  	(tag) =	ssettag $0x0;
	lr =	simm.s32 $0x1  }
0x2: {  	[smem:$0x3F97] =	sst lr;
	_ =	strace $0xD0000000  }
0x3: {  	_ = 	snop  }
0x4: {  	_ = 	snop  }
0x5: {  	_ = 	snop  }
0x6: {  	_ = 	snop  }
0x7: {  	_ = 	snop  }
__scs_overlays_trampoline_lowered:
0x8: {  	[smem:$0x3FA6] =	sst s0  }
0x9: {  	[smem:$0x3FA7] =	sst s1  }
0xa: {  	[smem:$0x3FA8] =	sst s2  }
0xb: {  	[smem:$0x3FA9] =	sst s3  }
0xc: {  	[smem:$0x3FAA] =	sst s4  }
0xd: {  	[smem:$0x3FAB] =	sst s5  }
0xe: {  	[smem:$0x3FAC] =	sst s6  }
0xf: {  	[smem:$0x3FAD] =	sst s7  }
0x10: {  	[smem:$0x3FAE] =	sst s8  }
0x11: {  	[smem:$0x3FAF] =	sst s9;
	s0 =	simm.s32 @!p0 $0x0  }
0x12: {  	s1 =	sld [smem:$0x3F95];
	s0 =	simm.s32 @p0 $0x1  }
0x13: {  	[smem:$0x3FB0] =	sst s0;
	s0 =	simm.s32 @!p1 $0x0  }
0x14: {  	s2 =	sld [smem:$0x3F94];
	s0 =	simm.s32 @p1 $0x1  }
0x15: {  	[smem:$0x3FB1] =	sst s0;
	s0 =	simm.s32 @!p2 $0x0  }
0x16: {  	s3 =	sld [smem:$0x3FDB];
	s0 =	simm.s32 @p2 $0x1  }
0x17: {  	s4 =	simm.s32 $0x1BF5;
	[smem:$0x3FB3] =	sst s0  }
0x18: {  	s0 =	sld [smem:$0x3F96];
	_ =	swait.ge [sflag:s4], $0x0  }
0x19: {  	s7 =	sld [smem:$0x3F97]  }
0x1a: {  	s8 =	sadd.s32 $0xFFFFE003, lr  }
0x1b: {  	s9 =	sadd.s32 $0xFFFFFEF7, lr;
	s5 =	simm.s32 $0xFFFFFFFF;
	p2 =	slt.u32 s8, $0xFFFFF086  }
0x1c: {  	p1 =	slt.u32 s9, $0xF7A;
	s5 =	simm.s32 @!p2 $0x0  }
0x1d: {  	s5 =	simm.s32 @p1 $0x1;
	p0 =	seq.s32 s7, s2  }
0x1e: {  	s7 =	smul.u32 @!p0 $0xF7A, s2;
	p2 =	seq.s32 @!p0 s5, $0x0  }
0x1f: {  	s9 =	smul.u32 $0xF7A, s1;
	s8 =	simm.s32 @!p0 $0x1BF5;
	p2 =	por !p2, p0  }
0x20: {  	[sflag:s8] =	ssyncset.s32 @!p0 $0xFFFFF086;
	s6 =	sadd.s32 @!p0 s3, s7;
	s7 =	simm.s32 @!p0 $0x108  }
0x21: {  	s3 =	sadd.s32 s3, s9;
	s6 =	sadd.s32 @!p0 $0x88, s6;
	s7 =	simm.s32 @p2 $0x1082  }
0x22: {  	[simem:s7], [sflag:s8] =	dma.local @!p0 [hbm:s6], $0xF7A  }
0x23: {  	s9 =	sor.u32 $0xD0000000, s2;
	s6 =	simm.s32 $0x108;
	_ =	swait.ge @!p0 [sflag:s8], $0x0  }
0x24: {  	s3 =	sadd.s32 $0x88, s3;
	s6 =	simm.s32 @!p1 $0x1082;
	[sflag:s4] =	ssyncset.s32 $0xFFFFF086  }
0x25: {  	[simem:s6], [sflag:s4] =	dma.local [hbm:s3], $0xF7A  }
0x26: {  	[smem:$0x3F97] =	sst s1;
	(tag) =	ssettag s2;
	_ =	strace s9  }
0x27: {  	s1 =	sld [smem:$0x3FA7]  }
0x28: {  	s2 =	sld [smem:$0x3FA8]  }
0x29: {  	s4 =	sld [smem:$0x3FAA]  }
0x2a: {  	p0 =	seq.s32 s5, $0x0;
	s5 =	sld [smem:$0x3FAB]  }
0x2b: {  	s6 =	sld [smem:$0x3FAC]  }
0x2c: {  	s7 =	sld [smem:$0x3FAD]  }
0x2d: {  	s3 =	simm.s32 $0x108;
	s8 =	sld [smem:$0x3FAE]  }
0x2e: {  	s3 =	simm.s32 @!p0 $0x1082;
	s9 =	sld [smem:$0x3FAF]  }
0x2f: {  	lr =	sadd.s32 s0, s3;
	s0 =	sld [smem:$0x3FA6]  }
0x30: {  	s3 =	sld [smem:$0x3FA9]  }
0x31: {  	[smem:$0x3FB2] =	sst s10  }
0x32: {  	s10 =	sld [smem:$0x3FB0];
	_ =	sdelay $0x3  }
0x33: {  	p0 =	seq.s32 s10, $0x1;
	s10 =	sld [smem:$0x3FB2];
	_ =	sdelay $0x3  }
0x34: {  	[smem:$0x3FB2] =	sst s10  }
0x35: {  	s10 =	sld [smem:$0x3FB1];
	_ =	sdelay $0x3  }
0x36: {  	p1 =	seq.s32 s10, $0x1;
	s10 =	sld [smem:$0x3FB2];
	_ =	sdelay $0x3  }
0x37: {  	[smem:$0x3FB2] =	sst s10  }
0x38: {  	s10 =	sld [smem:$0x3FB3]  }
0x39: {  	_ = 	snop;
	(pc) =	sbr.ind lr, $3  }
0x3a: {  	_ = 	snop  }
0x3b: {  	_ = 	snop  }
0x3c: {  	p2 =	seq.s32 s10, $0x1;
	s10 =	sld [smem:$0x3FB2]  }
0x3d: {  	_ =	shalt  }
0x3e: {  	_ =	shalt  }
0x3f: {  	_ =	shalt  }
0x40: {  	_ =	shalt  }
0x41: {  	_ =	shalt  }
0x42: {  	_ =	shalt  }
0x43: {  	_ =	shalt  }
0x44: {  	_ =	shalt  }
0x45: {  	_ =	shalt  }
0x46: {  	_ =	shalt  }
0x47: {  	_ =	shalt  }
0x48: {  	_ =	shalt  }
0x49: {  	_ =	shalt  }
0x4a: {  	_ =	shalt  }
0x4b: {  	_ =	shalt  }
0x4c: {  	_ =	shalt  }
0x4d: {  	_ =	shalt  }
0x4e: {  	_ =	shalt  }
0x4f: {  	_ =	shalt  }
0x50: {  	_ =	shalt  }
0x51: {  	_ =	shalt  }
0x52: {  	_ =	shalt  }
0x53: {  	_ =	shalt  }
0x54: {  	_ =	shalt  }
0x55: {  	_ =	shalt  }
0x56: {  	_ =	shalt  }
0x57: {  	_ =	shalt  }
0x58: {  	_ =	shalt  }
0x59: {  	_ =	shalt  }
0x5a: {  	_ =	shalt  }
0x5b: {  	_ =	shalt  }
0x5c: {  	_ =	shalt  }
0x5d: {  	_ =	shalt  }
0x5e: {  	_ =	shalt  }
0x5f: {  	_ =	shalt  }
0x60: {  	_ =	shalt  }
0x61: {  	_ =	shalt  }
0x62: {  	_ =	shalt  }
0x63: {  	_ =	shalt  }
0x64: {  	_ =	shalt  }
0x65: {  	_ =	shalt  }
0x66: {  	_ =	shalt  }
0x67: {  	_ =	shalt  }
0x68: {  	_ =	shalt  }
0x69: {  	_ =	shalt  }
0x6a: {  	_ =	shalt  }
0x6b: {  	_ =	shalt  }
0x6c: {  	_ =	shalt  }
0x6d: {  	_ =	shalt  }
0x6e: {  	_ =	shalt  }
0x6f: {  	_ =	shalt  }
0x70: {  	_ =	shalt  }
0x71: {  	_ =	shalt  }
0x72: {  	_ =	shalt  }
0x73: {  	_ =	shalt  }
0x74: {  	_ =	shalt  }
0x75: {  	_ =	shalt  }
0x76: {  	_ =	shalt  }
0x77: {  	_ =	shalt  }
0x78: {  	_ =	shalt  }
0x79: {  	_ =	shalt  }
0x7a: {  	_ =	shalt  }
0x7b: {  	_ =	shalt  }
0x7c: {  	_ =	shalt  }
0x7d: {  	_ =	shalt  }
0x7e: {  	_ =	shalt  }
0x7f: {  	_ =	shalt  }
0x80: {  	_ =	shalt  }
0x81: {  	_ =	shalt  }
0x82: {  	_ =	shalt  }
0x83: {  	_ =	shalt  }
0x84: {  	_ =	shalt  }
0x85: {  	_ =	shalt  }
0x86: {  	_ =	shalt  }
0x87: {  	_ =	shalt  }
.Lfunc_end0:
.L_simem_size_0:
called_computation_lowered:
.L_overlay_start_0:
0x88: {  	s2 =	sld [smem:$0x3FD9]  }
0x89: {  	s3 =	sld [smem:$0x3FFE];
	_ =	sdelay $0x1  }
0x8a: {  	s1 =	srdreg.scid  }
0x8b: {  	s0 =	sand.u32 $0x1, s1  }
0x8c: {  	s17 =	sshll.u32 s0, $0xA;
	s2 =	sadd.s32 s3, s2  }
0x8d: {  	s2 =	sadd.s32 s2, s17  }
0x8e: {  	[smem:$0x3FBE] =	sst s2  }
0x8f: {  	_ = 	snop  }
0x90: {  	s2 =	sld [smem:$0x3FC9];
	(tm) =	ssettm $0x1  }
0x91: {  	s18 =	sld [smem:$0x3FFB];
	_ =	sdelay $0x3  }
0x92: {  	_ =	strace s18  }
0x93: {  	s3 =	sld [smem:$0x3FFC];
	_ =	sdelay $0x3  }
0x94: {  	_ =	strace s3  }
0x95: {  	s3 =	sld [smem:$0x3FFD];
	_ =	sdelay $0x3  }
0x96: {  	_ =	strace s3  }
0x97: {  	_ =	strace $0x8FFFFFFF  }
0x98: {  	s19 =	sld [smem:$0x3FDB];
	_ =	sdelay $0x1  }
0x99: {  	s4 =	simm.s32 $_scs_section_size  }
0x9a: {  	s5 =	simm.s32 $_size__tile_overlayer_lowered;
	s6 =	simm.s32 $_tile_overlayer_lowered  }
0x9b: {  	s22 =	simm.s32 $0x1BFF;
	s21 =	sshll.u32 s6, $0x1;
	s3 =	sadd.s32 s4, s19  }
0x9c: {  	s7 =	simm.s32 $0x0;
	s20 =	sshll.u32 s5, $0x1;
	s5 =	sadd.s32 s21, s3  }
0x9d: {  	[timem:s7], [sflag:s22] =	dma.local [hbm:s5], s20  }
0x9e: {  	_ =	swait.ge [sflag:s22], s20  }
0x9f: {  	s4 =	ssub.s32 $0x0, s20;
	[sflag:s22] =	ssyncset.done $0x0  }
0xa0: {  	[sflag:s22] =	ssyncadd.s32 s4;
	_ =	sdelay $0x1  }
0xa1: {  	s23 =	simm.s32 $0x1B8B  }
0xa2: {  	_ =	swait.ge [sflag:s23], $0x1  }
0xa3: {  	[sflag:s23] =	ssyncset.done $0x0  }
0xa4: {  	s25 =	simm.s32 $0x1B8E;
	s24 =	sld [smem:$0x3FFE];
	[sflag:s23] =	ssyncadd.s32 $0xFFFFFFFF  }
0xa5: {  	s26 =	simm.s32 $execute0_lowered;
	[smem:$0x3FD2] =	sst s25  }
0xa6: {  	s5 =	sshll.u32 s26, $0x1;
	_ =	strace $0x80000046;
	[dreg:$0x1] =	wrdreg $0xFFFFFFFF  }
0xa7: {  	s28 =	simm.s32 $_size_execute0_lowered;
	s3 =	sadd.s32 s3, s5;
	[dreg:$0x0] =	wrdreg $0x0  }
0xa8: {  	s5 =	sshll.u32 s28, $0x1;
	[dreg:$0x2] =	wrdreg s3  }
0xa9: {  	[dreg:$0x3] =	wrdreg s5  }
0xaa: {  	[dreg:$0x4] =	wrdreg $0xC0  }
0xab: {  	_ =	task [dreg:s7], $0x5FFFF  }
0xac: {  	[dreg:$0x1] =	wrdreg $0xFFFFFFFF  }
0xad: {  	[dreg:$0x0] =	wrdreg $0x60  }
0xae: {  	[dreg:$0x2] =	wrdreg s24  }
0xaf: {  	[dreg:$0x3] =	wrdreg s2  }
0xb0: {  	[dreg:$0x4] =	wrdreg $0xB0000  }
0xb1: {  	[dreg:$0x5] =	wrdreg $0x9  }
0xb2: {  	_ =	task.clear_ibuf [dreg:s7], $0x6FFFF;
	_ =	strace $0x90000046  }
0xb3: {  	s29 =	simm.s32 $0x9;
	_ =	strace $0x80000048  }
0xb4: {  	_ =	swait.ge [sflag:s29], $0x1  }
0xb5: {  	[sflag:s29] =	ssyncadd.s32 $0xFFFFFFFF  }
0xb6: {  	_ =	strace $0x90000048  }
0xb7: {  	_ =	sfence  }
0xb8: {  	s30 =	sld [smem:$0x0];
	_ =	sdelay $0x2  }
0xb9: {  	s31 =	sshll.u32 s1, $0xD;
	s1 =	sshrl.u32 s1, $0x2  }
0xba: {  	s3 =	sand.u32 $0x4000, s31;
	s1 =	sadd.s32 s1, s30  }
0xbb: {  	s0 =	sor.u32 s3, s0;
	s1 =	sshll.u32 s1, $0x11  }
0xbc: {  	s0 =	sor.u32 s1, s0  }
0xbd: {  	s0 =	sadd.s32 $0x8F2B, s0  }
0xbe: {  	[sflag:s0] =	ssyncadd.remote.s32 $0x1  }
0xbf: {  	_ =	sfence.sel $0xFFFF  }
0xc0: {  	[dreg:$0x0] =	wrdreg $0xFFFFFFFF;
	(pc) =	sbr.abs _section_cstart, $3  }
0xc1: {  	[dreg:$0x1] =	wrdreg $0xFFFFFFFF  }
0xc2: {  	_ =	task.clear_ibuf [dreg:s7], $0x2FFFF;
	_ =	strace $0x9FFFFFFF  }
0xc3: {  	(tm) =	ssettm $0x7FFFFFFF  }
tec
execute0_lowered:
.L_overlay_start_1:
0x0: {  	(tag) =	ssettag $0x1  }
0x1: {  	s0 =	rddreg [dreg:$0x0]  }
0x2: {  	s1 =	rddreg [dreg:$0x1]  }
0x3: {  	s2 =	rddreg [dreg:$0x2];
	s3 =	simm.s32 $0x0;
	s4 =	srdreg.scid  }
0x4: {  	s12 =	stileid.u32;
	s29 =	simm.s32 $0x3800;
	s30 =	simm.s32 $0x6000  }
0x5: {  	s31 =	simm.s32 $0x1;
	s28 =	simm.s32 $0x0;
	[smem:$0x7FF] =	sst s3  }
0x6: {  	s4 =	sand.u32 $0x1, s4;
	s5 =	sadd.s32 $0x2000, s0;
	s9 =	smul.u32 $0x50000, s12  }
0x7: {  	s8 =	sshll.u32 s12, $0x7;
	s10 =	sadd.s32 $0x22000, s0;
	s22 =	smul.u32 $0x13800, s12  }
0x8: {  	s25 =	smul.u32 $0x4E000, s12;
	p0 =	sne.s32 s12, $0xF;
	_ =	strace $0x80000047  }
0x9: {  	s6 =	ssub.s32 $0x2, s4;
	s7 =	sshll.u32 s4, $0xB;
	s18 =	smul.u32 $0x138800, s4  }
0xa: {  	s11 =	sshrl.u32 s6, $0x1;
	s16 =	sor.u32 s8, s7;
	s13 =	sshrl.u32 s9, $0x2  }
0xb: {  	s7 =	sadd.s32 $0x12000, s0;
	s9 =	sshrl.u32 s25, $0x2;
	s6 =	ssub.s32 s6, s11  }
0xc: {  	s21 =	sshll.u32 s16, $0x4;
	s8 =	sadd.s32 s13, s2;
	s16 =	sshrl.u32 s16, $0x3  }
0xd: {  	s4 =	sadd.s32 s22, s18;
	s0 =	sshrl.u32 s18, $0x3;
	s14 =	sadd.s32 s5, s21  }
0xe: {  	s26 =	sadd.s32 s9, s2;
	s15 =	sadd.s32 $0x2800, s8;
	[dreg:$0x4] =	wrdreg s14  }
0xf: {  	s22 =	simm.s32 $0x2;
	s17 =	sadd.s32 $0x5000, s8;
	[dreg:$0x5] =	wrdreg s15  }
0x10: {  	s19 =	sadd.s32 $0x7800, s8;
	s20 =	sadd.s32 $0xA000, s8;
	[dreg:$0x6] =	wrdreg s17  }
0x11: {  	s23 =	sadd.s32 $0xC800, s8;
	s24 =	sadd.s32 $0xF000, s8;
	[dreg:$0x7] =	wrdreg s19  }
0x12: {  	s4 =	sshrl.u32 s4, $0x3;
	s0 =	sadd.s32 s10, s0;
	[dreg:$0x8] =	wrdreg s20  }
.Ltmp0:
0x13: {  	s21 =	sadd.s32 s21, s7;
	[dreg:$0x9] =	wrdreg s23;
	(pc) =	sbr.rel .LBB2_1-.Ltmp0, $4  }
0x14: {  	[dreg:$0xa] =	wrdreg s24;
	s15 =	sadd.s32 $0x11800, s8;
	s17 =	sadd.s32 s10, s4  }
0x15: {  	s18 =	sadd.s32 $0x27000, s0;
	s0 =	sadd.s32 $0x138000, s2;
	s19 =	smax.u32 s6, $0x1  }
0x16: {  	s20 =	simm.s32 $0x4;
	s23 =	simm.s32 $0x50;
	s24 =	sshrl.u32 s26, $0x3  }
0x17: {  	v0 =	vimm.f32 $0.0e+00;
	s26 =	simm.s32 $0x1000;
	s25 =	sshrl.u32 @!p0 s0, $0x3;
	s0 =	simm.s32 $0x8800  }
.LBB2_8:
0x18: {  	_ =	swait.ge [sflag:s22], $0x2800  }
0x19: {  	[sflag:s22] =	ssyncset.done $0x0  }
0x1a: {  	[sflag:s22] =	ssyncadd.s32 $0xFFFFD800  }
0x1b: {  	_ =	swait.ge [sflag:s22], $0x2800  }
0x1c: {  	s4 =	stileid.u32;
	[sflag:s22] =	ssyncset.done $0x0  }
0x1d: {  	s4 =	sshll.u32 s4, $0x6;
	[sflag:s22] =	ssyncadd.s32 $0xFFFFD800  }
0x1e: {  	s4 =	sor.u32 $0x1C04, s4;
	[bflag:$0x0] =	sbarrier.arrive $0xFFFF  }
0x1f: {  	[hbm:s17], [sflag:s4] =	dma.local [spmem:s24], $0x2700  }
0x20: {  	_ =	swait.ge [sflag:s20], $0x2700  }
0x21: {  	s28 =	sadd.s32 $0x1, s28;
	[sflag:s20] =	ssyncset.done $0x0  }
0x22: {  	p1 =	sne.s32 s28, s19;
	[sflag:s20] =	ssyncadd.s32 $0xFFFFD900  }
0x23: {  	[hbm:s18], [sflag:s4] =	dma.local @!p0 [spmem:s25], $0x100  }
.Ltmp1:
0x24: {  	_ = 	snop;
	(pc) =	sbr.rel @!p1 .LBB2_9-.Ltmp1, $4  }
0x25: {  	s4 =	simm.s32 @!p0 $0x4  }
0x26: {  	_ =	swait.ge @!p0 [sflag:s4], $0x100  }
0x27: {  	[sflag:s4] =	ssyncset.done @!p0 $0x0  }
0x28: {  	[sflag:s4] =	ssyncadd.s32 @!p0 $0xFFFFFF00  }
.LBB2_1:
0x29: {  	s4 =	rddreg [dreg:$0x4]  }
0x2a: {  	[tilespmem:s3], [sflag:$0x4] =	stream.linear.gather [hbm4b:s4+s3], $0x400, $0x38;
	[tilespmem:$0x1F000] =	vst v63  }
0x2b: {  	_ =	swait.ge [sflag:s20], $0x400  }
0x2c: {  	[sflag:s20] =	ssyncset.done $0x0  }
0x2d: {  	s13 =	simm.s32 $0x800;
	[sflag:s20] =	ssyncadd.s32 $0xFFFFFC00  }
0x2e: {  	[tilespmem:s13], [sflag:$0x4] =	stream.linear.gather [hbm4b:s21+s3], $0x400, $0x38;
	[tilespmem:$0x1F000] =	vst v63  }
0x2f: {  	_ =	swait.ge [sflag:s20], $0x400  }
0x30: {  	[sflag:s20] =	ssyncset.done $0x0  }
0x31: {  	[sflag:s20] =	ssyncadd.s32 $0xFFFFFC00  }
0x32: {  	[tilespmem:s26], [sflag:$0x1] =	stream.indirect.gather [hbm4b:s1+s23], $0x80, s3, s23, $0xb8;
	[tilespmem:$0x1F000] =	vst v63  }
0x33: {  	s14 =	simm.s32 $0x80;
	s6 =	simm.s32 $0x200;
	s4 =	simm.s32 $0x0  }
0x34: {  	[tilespmem:s29], [sflag:$0x1] =	stream.indirect.gather [hbm4b:s1+s23], $0x80, s14, s23, $0xb8;
	[tilespmem:$0x1F000] =	vst v63  }
.LBB2_2:
0x35: {  	p1 =	sne.s32 s6, $0x9E00;
	[tilespmem:s4+$0x6070] =	vst v0  }
0x36: {  	[tilespmem:s4+$0x6000] =	vst v0  }
0x37: {  	[tilespmem:s4+$0x6010] =	vst v0  }
.Ltmp2:
0x38: {  	[tilespmem:s4+$0x6020] =	vst v0;
	(pc) =	sbr.rel @p1 .LBB2_2-.Ltmp2, $4  }
0x39: {  	[tilespmem:s4+$0x6030] =	vst v0  }
0x3a: {  	[tilespmem:s4+$0x6040] =	vst v0  }
0x3b: {  	[tilespmem:s4+$0x6050] =	vst v0  }
0x3c: {  	[tilespmem:s4+$0x6060] =	vst v0;
	s4 =	sshra.s32 s6, $0x2;
	s6 =	sadd.s32 $0x200, s6  }
0x3d: {  	[tilespmem:s4+$0x6070] =	vst v0  }
0x3e: {  	[tilespmem:s4+$0x6000] =	vst v0  }
0x3f: {  	[tilespmem:s4+$0x6010] =	vst v0  }
0x40: {  	[tilespmem:s4+$0x6020] =	vst v0  }
0x41: {  	[tilespmem:s4+$0x6030] =	vst v0  }
0x42: {  	[tilespmem:s4+$0x6040] =	vst v0  }
0x43: {  	[tilespmem:s4+$0x6050] =	vst v0  }
0x44: {  	[tilespmem:s4+$0x6060] =	vst v0  }
0x45: {  	[spmem:s8] =	stream.linear.scatter [tilespmem:s30], [sflag:$0x4], $0x2800, $0x38;
	[tilespmem:$0x1F000] =	vst v63  }
0x46: {  	_ =	swait.ge [sflag:s20], $0x2800  }
0x47: {  	[sflag:s20] =	ssyncset.done $0x0  }
0x48: {  	s9 =	rddreg [dreg:$0x5];
	[sflag:s20] =	ssyncadd.s32 $0xFFFFD800  }
0x49: {  	[spmem:s9] =	stream.linear.scatter [tilespmem:s30], [sflag:$0x4], $0x2800, $0x38;
	[tilespmem:$0x1F000] =	vst v63  }
0x4a: {  	_ =	swait.ge [sflag:s20], $0x2800  }
0x4b: {  	[sflag:s20] =	ssyncset.done $0x0  }
0x4c: {  	s10 =	rddreg [dreg:$0x6];
	[sflag:s20] =	ssyncadd.s32 $0xFFFFD800  }
0x4d: {  	[spmem:s10] =	stream.linear.scatter [tilespmem:s30], [sflag:$0x4], $0x2800, $0x38;
	[tilespmem:$0x1F000] =	vst v63  }
0x4e: {  	_ =	swait.ge [sflag:s20], $0x2800  }
0x4f: {  	[sflag:s20] =	ssyncset.done $0x0  }
0x50: {  	s11 =	rddreg [dreg:$0x7];
	[sflag:s20] =	ssyncadd.s32 $0xFFFFD800  }
0x51: {  	[spmem:s11] =	stream.linear.scatter [tilespmem:s30], [sflag:$0x4], $0x2800, $0x38;
	[tilespmem:$0x1F000] =	vst v63  }
0x52: {  	_ =	swait.ge [sflag:s20], $0x2800  }
0x53: {  	[sflag:s20] =	ssyncset.done $0x0  }
0x54: {  	s12 =	rddreg [dreg:$0x8];
	[sflag:s20] =	ssyncadd.s32 $0xFFFFD800  }
0x55: {  	[spmem:s12] =	stream.linear.scatter [tilespmem:s30], [sflag:$0x4], $0x2800, $0x38;
	[tilespmem:$0x1F000] =	vst v63  }
0x56: {  	_ =	swait.ge [sflag:s20], $0x2800  }
0x57: {  	[sflag:s20] =	ssyncset.done $0x0  }
0x58: {  	s13 =	rddreg [dreg:$0x9];
	[sflag:s20] =	ssyncadd.s32 $0xFFFFD800  }
0x59: {  	[spmem:s13] =	stream.linear.scatter [tilespmem:s30], [sflag:$0x4], $0x2800, $0x38;
	[tilespmem:$0x1F000] =	vst v63  }
0x5a: {  	_ =	swait.ge [sflag:s20], $0x2800  }
0x5b: {  	[sflag:s20] =	ssyncset.done $0x0  }
0x5c: {  	s14 =	rddreg [dreg:$0xa];
	[sflag:s20] =	ssyncadd.s32 $0xFFFFD800  }
0x5d: {  	[spmem:s14] =	stream.linear.scatter [tilespmem:s30], [sflag:$0x4], $0x2800, $0x38;
	[tilespmem:$0x1F000] =	vst v63  }
0x5e: {  	_ =	swait.ge [sflag:s20], $0x2800  }
0x5f: {  	[sflag:s20] =	ssyncset.done $0x0  }
0x60: {  	[sflag:s20] =	ssyncadd.s32 $0xFFFFD800  }
0x61: {  	[spmem:s15] =	stream.linear.scatter [tilespmem:s30], [sflag:$0x4], $0x2800, $0x38;
	[tilespmem:$0x1F000] =	vst v63  }
.Ltmp3:
0x62: {  	_ =	swait.ge [sflag:s20], $0x2800;
	(pc) =	sbr.rel .LBB2_4-.Ltmp3, $4  }
0x63: {  	[sflag:s20] =	ssyncset.done $0x0  }
0x64: {  	[sflag:s20] =	ssyncadd.s32 $0xFFFFD800  }
0x65: {  	[bflag:$0x0] =	sbarrier.arrive $0xFFFF  }
0x66: {  	s4 =	simm.s32 $0x0  }
.LBB2_6:
0x67: {  	s4 =	sadd.s32 @!p1 $0x1, s4  }
0x68: {  	s4 =	simm.s32 @p1 $0x1  }
0x69: {  	s11 =	sadd.s32 s16, s4  }
0x6a: {  	s11 =	sshll.u32 s11, $0x7  }
0x6b: {  	s12 =	sshll.u32 s4, $0xA;
	s11 =	sand.u32 $0x1FFFFF80, s11  }
0x6c: {  	s12 =	sand.u32 $0x400, s12;
	s13 =	sadd.s32 s5, s11  }
0x6d: {  	[tilespmem:s12], [sflag:$0x3] =	stream.linear.gather [hbm4b:s13+s3], $0x400, $0x38;
	[tilespmem:$0x1F000] =	vst v63  }
0x6e: {  	p1 =	por $0x0, $0x0;
	s11 =	sadd.s32 s7, s11;
	s12 =	sor.u32 $0x800, s12  }
0x6f: {  	[tilespmem:s12], [sflag:$0x3] =	stream.linear.gather [hbm4b:s11+s3], $0x400, $0x38;
	[tilespmem:$0x1F000] =	vst v63  }
.LBB2_7:
0x70: {  	s11 =	sor.u32 $0x180, s9  }
0x71: {  	[tilespmem:s0], [sflag:$0x1] =	stream.indirect.gather [hbm4b:s1+s23], $0x80, s11, s23, $0xb8;
	[tilespmem:$0x1F000] =	vst v63  }
0x72: {  	_ =	swait.ge [sflag:s31], $0x2800  }
0x73: {  	[sflag:s31] =	ssyncset.done $0x0  }
0x74: {  	s13 =	sadd.s32 $0x880, s9;
	[sflag:s31] =	ssyncadd.s32 $0xFFFFD800  }
0x75: {  	[spmem:s2] =	stream.indirect.scatter.add.f32 [tilespmem:s29], [sflag:$0x2], $0x80, s13, s23, $0xb8;
	[tilespmem:$0x1F000] =	vst v63  }
0x76: {  	_ =	swait.ge [sflag:s22], $0x2800  }
0x77: {  	[sflag:s22] =	ssyncset.done $0x0  }
0x78: {  	s14 =	sor.u32 $0x200, s9;
	[sflag:s22] =	ssyncadd.s32 $0xFFFFD800  }
0x79: {  	[tilespmem:s26], [sflag:$0x1] =	stream.indirect.gather [hbm4b:s1+s23], $0x80, s14, s23, $0xb8;
	[tilespmem:$0x1F000] =	vst v63  }
0x7a: {  	_ =	swait.ge [sflag:s31], $0x2800  }
0x7b: {  	[sflag:s31] =	ssyncset.done $0x0  }
0x7c: {  	s10 =	sor.u32 $0x800, s10;
	[sflag:s31] =	ssyncadd.s32 $0xFFFFD800  }
0x7d: {  	[spmem:s2] =	stream.indirect.scatter.add.f32 [tilespmem:s30], [sflag:$0x2], $0x80, s10, s23, $0xb8;
	[tilespmem:$0x1F000] =	vst v63  }
0x7e: {  	_ =	swait.ge [sflag:s22], $0x2800  }
0x7f: {  	[sflag:s22] =	ssyncset.done $0x0  }
0x80: {  	s11 =	sor.u32 $0x280, s9;
	[sflag:s22] =	ssyncadd.s32 $0xFFFFD800  }
0x81: {  	[tilespmem:s29], [sflag:$0x1] =	stream.indirect.gather [hbm4b:s1+s23], $0x80, s11, s23, $0xb8;
	[tilespmem:$0x1F000] =	vst v63  }
0x82: {  	_ =	swait.ge [sflag:s31], $0x2800  }
0x83: {  	[sflag:s31] =	ssyncset.done $0x0  }
0x84: {  	s12 =	sor.u32 $0x980, s9;
	[sflag:s31] =	ssyncadd.s32 $0xFFFFD800  }
0x85: {  	[spmem:s2] =	stream.indirect.scatter.add.f32 [tilespmem:s0], [sflag:$0x2], $0x80, s12, s23, $0xb8;
	[tilespmem:$0x1F000] =	vst v63  }
0x86: {  	_ =	swait.ge [sflag:s22], $0x2800  }
0x87: {  	[sflag:s22] =	ssyncset.done $0x0  }
0x88: {  	s10 =	sor.u32 $0x300, s9;
	[sflag:s22] =	ssyncadd.s32 $0xFFFFD800  }
0x89: {  	[tilespmem:s30], [sflag:$0x1] =	stream.indirect.gather [hbm4b:s1+s23], $0x80, s10, s23, $0xb8;
	[tilespmem:$0x1F000] =	vst v63  }
0x8a: {  	_ =	swait.ge [sflag:s31], $0x2800  }
0x8b: {  	[sflag:s31] =	ssyncset.done $0x0  }
0x8c: {  	s13 =	sor.u32 $0xA00, s9;
	[sflag:s31] =	ssyncadd.s32 $0xFFFFD800  }
0x8d: {  	[spmem:s2] =	stream.indirect.scatter.add.f32 [tilespmem:s26], [sflag:$0x2], $0x80, s13, s23, $0xb8;
	[tilespmem:$0x1F000] =	vst v63  }
0x8e: {  	_ =	swait.ge [sflag:s22], $0x2800  }
0x8f: {  	[sflag:s22] =	ssyncset.done $0x0  }
0x90: {  	s11 =	sor.u32 $0x380, s9;
	[sflag:s22] =	ssyncadd.s32 $0xFFFFD800  }
0x91: {  	[tilespmem:s0], [sflag:$0x1] =	stream.indirect.gather [hbm4b:s1+s23], $0x80, s11, s23, $0xb8;
	[tilespmem:$0x1F000] =	vst v63  }
0x92: {  	_ =	swait.ge [sflag:s31], $0x2800  }
0x93: {  	[sflag:s31] =	ssyncset.done $0x0  }
0x94: {  	s12 =	sor.u32 $0xA80, s9;
	[sflag:s31] =	ssyncadd.s32 $0xFFFFD800  }
0x95: {  	[spmem:s2] =	stream.indirect.scatter.add.f32 [tilespmem:s29], [sflag:$0x2], $0x80, s12, s23, $0xb8;
	[tilespmem:$0x1F000] =	vst v63  }
0x96: {  	_ =	swait.ge [sflag:s22], $0x2800  }
0x97: {  	[sflag:s22] =	ssyncset.done $0x0  }
0x98: {  	s12 =	simm.s32 @p1 $0x1;
	[sflag:s22] =	ssyncadd.s32 $0xFFFFD800  }
0x99: {  	_ =	swait.ge @p1 [sflag:s12], $0x2800  }
0x9a: {  	s14 =	simm.s32 @p1 $0x6000;
	[sflag:s12] =	ssyncset.done @p1 $0x0  }
0x9b: {  	s13 =	simm.s32 @p1 $0x50;
	[sflag:s12] =	ssyncadd.s32 @p1 $0xFFFFD800;
	s12 =	sor.u32 @p1 $0x800, s10  }
0x9c: {  	[spmem:s2] =	stream.indirect.scatter.add.f32 @p1 [tilespmem:s14], [sflag:$0x2], $0x80, s12, s13, $0xb8;
	[tilespmem:$0x1F000] =	vst v63  }
0x9d: {  	s12 =	simm.s32 @p1 $0x2  }
0x9e: {  	_ =	swait.ge @p1 [sflag:s12], $0x2800  }
0x9f: {  	[sflag:s12] =	ssyncset.done @p1 $0x0  }
0xa0: {  	[sflag:s12] =	ssyncadd.s32 @p1 $0xFFFFD800;
	s12 =	simm.s32 @!p1 $0x3  }
0xa1: {  	_ =	swait.ge @!p1 [sflag:s12], $0x400  }
0xa2: {  	[sflag:s12] =	ssyncset.done @!p1 $0x0  }
0xa3: {  	[sflag:s12] =	ssyncadd.s32 @!p1 $0xFFFFFC00  }
0xa4: {  	_ =	swait.ge @!p1 [sflag:s12], $0x400  }
0xa5: {  	s9 =	sxor.u32 @!p1 $0x400, s9;
	[sflag:s12] =	ssyncset.done @!p1 $0x0  }
0xa6: {  	s13 =	simm.s32 @!p1 $0x1000;
	[sflag:s12] =	ssyncadd.s32 @!p1 $0xFFFFFC00;
	s12 =	simm.s32 @!p1 $0x50  }
0xa7: {  	[tilespmem:s13], [sflag:$0x1] =	stream.indirect.gather @!p1 [hbm4b:s1+s12], $0x80, s9, s12, $0xb8;
	[tilespmem:$0x1F000] =	vst v63  }
0xa8: {  	s9 =	simm.s32 @!p1 $0x1  }
0xa9: {  	_ =	swait.ge @!p1 [sflag:s9], $0x2800  }
0xaa: {  	[sflag:s9] =	ssyncset.done @!p1 $0x0  }
0xab: {  	[sflag:s9] =	ssyncadd.s32 @!p1 $0xFFFFD800;
	s9 =	sor.u32 @!p1 $0x800, s10;
	s10 =	simm.s32 @!p1 $0x6000  }
0xac: {  	[spmem:s2] =	stream.indirect.scatter.add.f32 @!p1 [tilespmem:s10], [sflag:$0x2], $0x80, s9, s12, $0xb8;
	[tilespmem:$0x1F000] =	vst v63  }
0xad: {  	s9 =	simm.s32 @!p1 $0x2  }
0xae: {  	_ =	swait.ge @!p1 [sflag:s9], $0x2800  }
0xaf: {  	s6 =	sadd.s32 @!p1 $0x480, s6;
	[sflag:s9] =	ssyncset.done @!p1 $0x0  }
0xb0: {  	s6 =	sand.u32 @!p1 $0x480, s6;
	[sflag:s9] =	ssyncadd.s32 @!p1 $0xFFFFD800;
	s9 =	simm.s32 @!p1 $0x3800  }
0xb1: {  	[tilespmem:s9], [sflag:$0x1] =	stream.indirect.gather @!p1 [hbm4b:s1+s12], $0x80, s6, s12, $0xb8;
	[tilespmem:$0x1F000] =	vst v63  }
0xb2: {  	p1 =	slt.u32 s4, $0x10  }
.Ltmp4:
0xb3: {  	_ = 	snop;
	(pc) =	sbr.rel @!p1 .LBB2_8-.Ltmp4, $4  }
0xb4: {  	_ =	swait.ge [sflag:s31], $0x2800  }
0xb5: {  	[sflag:s31] =	ssyncset.done $0x0  }
0xb6: {  	s14 =	sor.u32 $0x800, s11;
	[sflag:s31] =	ssyncadd.s32 $0xFFFFD800  }
0xb7: {  	[spmem:s2] =	stream.indirect.scatter.add.f32 [tilespmem:s0], [sflag:$0x2], $0x80, s14, s23, $0xb8;
	[tilespmem:$0x1F000] =	vst v63  }
.LBB2_4:
0xb8: {  	p1 =	seq.s32 s4, $0x0  }
0xb9: {  	s11 =	simm.s32 @!p1 $0x2  }
0xba: {  	s6 =	sshll.u32 s4, $0xA;
	_ =	swait.ge @!p1 [sflag:s11], $0x2800  }
0xbb: {  	s9 =	sand.u32 $0x400, s6;
	[sflag:s11] =	ssyncset.done @!p1 $0x0  }
0xbc: {  	s10 =	sor.u32 $0x100, s9;
	[sflag:s11] =	ssyncadd.s32 @!p1 $0xFFFFD800  }
0xbd: {  	[tilespmem:s30], [sflag:$0x1] =	stream.indirect.gather [hbm4b:s1+s23], $0x80, s10, s23, $0xb8;
	[tilespmem:$0x1F000] =	vst v63  }
0xbe: {  	p2 =	seq.s32 @!p1 s4, $0xF;
	_ =	swait.ge [sflag:s31], $0x2800  }
0xbf: {  	p2 =	por p1, !p2;
	[sflag:s31] =	ssyncset.done $0x0  }
.Ltmp5:
0xc0: {  	s12 =	sor.u32 $0x800, s9;
	[sflag:s31] =	ssyncadd.s32 $0xFFFFD800;
	(pc) =	sbr.rel @p2 .LBB2_6-.Ltmp5, $4  }
0xc1: {  	[spmem:s2] =	stream.indirect.scatter.add.f32 [tilespmem:s26], [sflag:$0x2], $0x80, s12, s23, $0xb8;
	[tilespmem:$0x1F000] =	vst v63  }
0xc2: {  	_ =	swait.ge @!p1 [sflag:s11], $0x2800  }
0xc3: {  	[sflag:s11] =	ssyncset.done @!p1 $0x0  }
0xc4: {  	[sflag:s11] =	ssyncadd.s32 @!p1 $0xFFFFD800  }
.Ltmp6:
0xc5: {  	(pc) =	sbr.rel .LBB2_7-.Ltmp6, $2  }
0xc6: {  	_ =	sdelay $0x2  }
0xc7: {  	s4 =	simm.s32 @!p1 $0x10;
	p1 =	por @!p1 $0x1, $0x1  }
.LBB2_9:
0xc8: {  	_ =	sfence.sel $0x180000  }
0xc9: {  	[bflag:$0x0] =	sbarrier.arrive $0xFFFF  }
0xca: {  	_ =	strace $0x90000047  }
0xcb: {  	s0 =	stileid.u32;
	[bflag:$0x2] =	sbarrier.arrive $0xFFFF  }
0xcc: {  	p0 =	sne.s32 s0, $0x0;
	s0 =	rddreg [dreg:$0x3]  }
0xcd: {  	s0 =	sadd.s32 @!p0 $0x100000, s0  }
0xce: {  	[sflag:s0] =	ssyncadd.tile.s32 @!p0 $0x1;
	_ =	shalt  }
.Lfunc_end2:
_tile_overlayer_lowered:
.L_overlay_start_2:
0xcf: {  	(tag) =	ssettag $0x2  }
0xd0: {  	s0 =	rddreg [dreg:$0x0];
	s2 =	stileid.u32  }
0xd1: {  	s1 =	rddreg [dreg:$0x1];
	p0 =	sne.s32 s2, $0x0  }
0xd2: {  	s3 =	rddreg [dreg:$0x2];
	[bflag:$0x3] =	sbarrier.arrive $0xFFFF;
	s2 =	simm.s32 @!p0 $0x1C04  }
0xd3: {  	[timem:s3], [sflag:s2] =	dma.local @!p0 [hbm:s0], s1  }
0xd4: {  	s0 =	simm.s32 @!p0 $0x4  }
0xd5: {  	_ =	swait.ge @!p0 [sflag:s0], s1  }
0xd6: {  	s1 =	ssub.s32 @!p0 $0x0, s1;
	[sflag:s0] =	ssyncset.done @!p0 $0x0  }
0xd7: {  	[sflag:s0] =	ssyncadd.s32 @!p0 s1  }
0xd8: {  	[bflag:$0x3] =	sbarrier.arrive $0xFFFF  }
0xd9: {  	_ =	shalt  }

</sc_bundles>
